<compile_context>
chip_gen: v7x
topology: tpu7x:2x2x1
jax: 0.10.2.dev20260603
libtpu: 0.0.44.dev20260713+nightly
codegen_flags: <defaults>
</compile_context>

<pallas_src>
import jax
import jax.numpy as jnp
from jax import lax
from jax.experimental import pallas as pl
from jax.experimental.pallas import tpu as pltpu
from jax.experimental.pallas import tpu_sc as plsc

B = 32
S = 256
T = 1024
MASK = 768
D = 768
GCHUNK = 64
MCHUNK = 16
LANES = 16
NC = 2
NS = 16


def _body(inputs_hbm, mst_hbm, un_src, un_dst, mk_dst, meta_un, meta_mk, out,
          un_src_v, un_dst_v, mk_dst_v, meta_un_v, meta_mk_v,
          mst_buf, buf0, buf1,
          gsem0, gsem1, wsem0, wsem1, msem):
    wid = lax.axis_index("s") * NC + lax.axis_index("c")
    inp_w = inputs_hbm.at[pl.ds(wid * S, S)]
    out_w = out.at[pl.ds(wid * T, T)]

    pltpu.sync_copy(un_src, un_src_v)
    pltpu.sync_copy(un_dst, un_dst_v)
    pltpu.sync_copy(mk_dst, mk_dst_v)
    pltpu.sync_copy(meta_un, meta_un_v)
    pltpu.sync_copy(meta_mk, meta_mk_v)

    pltpu.sync_copy(mst_hbm, mst_buf)

    n_un = meta_un_v[pl.ds(0, LANES)][0]
    n_mk = meta_mk_v[pl.ds(0, LANES)][0]

    def mk_fire(c, carry):
        pltpu.make_async_copy(mst_buf, out_w.at[mk_dst_v.at[c]], msem).start()
        return carry

    lax.fori_loop(0, n_mk, mk_fire, 0)

    def un_pair(p, carry):
        c0 = 2 * p
        c1 = c0 + 1

        def g(c, buf, sem):
            return pltpu.make_async_copy(inp_w.at[un_src_v.at[c]], buf, sem)

        def w(c, buf, sem):
            return pltpu.make_async_copy(buf, out_w.at[un_dst_v.at[c]], sem)

        g(c0, buf0, gsem0).start()
        pl.when(c1 < n_un)(lambda: g(c1, buf1, gsem1).start())
        g(c0, buf0, gsem0).wait()
        w(c0, buf0, wsem0).start()

        def mid():
            g(c1, buf1, gsem1).wait()
            w(c1, buf1, wsem1).start()

        pl.when(c1 < n_un)(mid)
        w(c0, buf0, wsem0).wait()
        pl.when(c1 < n_un)(lambda: w(c1, buf1, wsem1).wait())
        return carry

    lax.fori_loop(0, (n_un + 1) // 2, un_pair, 0)

    def mk_drain(c, carry):
        pltpu.make_async_copy(mst_buf, out_w.at[mk_dst_v.at[0]], msem).wait()
        return carry

    lax.fori_loop(0, n_mk, mk_drain, 0)


def kernel(inputs, mask_indices, un_masked_indices, mst):
    idx = jnp.concatenate([mask_indices, un_masked_indices]).astype(jnp.int32)
    pos = jnp.arange(T, dtype=jnp.int32)
    is_un = idx >= MASK
    cnt_un = jnp.sum(is_un.astype(jnp.int32))
    cnt_mk = T - cnt_un

    rank_un = jnp.cumsum(is_un.astype(jnp.int32)) - 1
    rank_mk = jnp.cumsum(1 - is_un.astype(jnp.int32)) - 1
    slot_un = jnp.where(is_un, rank_un, T)
    slot_mk = jnp.where(is_un, T, rank_mk)
    un_dst_f = jnp.zeros((T + 1,), jnp.int32).at[slot_un].set(pos)[:T]
    un_src_f = jnp.zeros((T + 1,), jnp.int32).at[slot_un].set(idx - MASK)[:T]
    mk_dst_f = jnp.zeros((T + 1,), jnp.int32).at[slot_mk].set(pos)[:T]

    ksel = jnp.where(pos < cnt_un, pos, pos % jnp.maximum(cnt_un, 1))
    un_dst = un_dst_f[ksel]
    un_src = un_src_f[ksel]
    ksel2 = jnp.where(pos < cnt_mk, pos, pos % jnp.maximum(cnt_mk, 1))
    mk_dst = mk_dst_f[ksel2]

    meta_un = jnp.zeros((LANES,), jnp.int32).at[0].set(
        (cnt_un + GCHUNK - 1) // GCHUNK)
    meta_mk = jnp.zeros((LANES,), jnp.int32).at[0].set(
        (cnt_mk + MCHUNK - 1) // MCHUNK)

    mesh = plsc.VectorSubcoreMesh(core_axis_name="c", subcore_axis_name="s")
    out = pl.kernel(
        _body,
        mesh=mesh,
        out_type=jax.ShapeDtypeStruct((B * T, D), inputs.dtype),
        scratch_types=[
            pltpu.VMEM((T // GCHUNK, GCHUNK), jnp.int32),
            pltpu.VMEM((T // GCHUNK, GCHUNK), jnp.int32),
            pltpu.VMEM((T // MCHUNK, MCHUNK), jnp.int32),
            pltpu.VMEM((LANES,), jnp.int32),
            pltpu.VMEM((LANES,), jnp.int32),
            pltpu.VMEM((MCHUNK, D), jnp.float32),
            pltpu.VMEM((GCHUNK, D), jnp.float32),
            pltpu.VMEM((GCHUNK, D), jnp.float32),
            pltpu.SemaphoreType.DMA,
            pltpu.SemaphoreType.DMA,
            pltpu.SemaphoreType.DMA,
            pltpu.SemaphoreType.DMA,
            pltpu.SemaphoreType.DMA,
        ],
    )(inputs.reshape(B * S, D),
      jnp.broadcast_to(mst.reshape(1, D).astype(inputs.dtype), (MCHUNK, D)),
      un_src.reshape(T // GCHUNK, GCHUNK),
      un_dst.reshape(T // GCHUNK, GCHUNK),
      mk_dst.reshape(T // MCHUNK, MCHUNK),
      meta_un, meta_mk)
    return out.reshape(B, T, D)

# --- scband reference (transcript-rebuilt; emitter-appended) ---
"""Pipeline reference for scband-mask-token-31172872634992 (READ-ONLY COPY).

The authoritative reference and input builder live on the scoring server;
editing this copy changes nothing except your own understanding.
"""

import jax, jax.numpy as jnp
import numpy as np


def setup_inputs(seed: int = 0) -> dict:
    key = jax.random.key(seed)
    k1, k2, k3 = jax.random.split(key, 3)
    inputs = jax.random.normal(k1, (32, 256, 768), dtype=jnp.float32)
    mask_indices = jax.random.randint(k2, (768,), 0, 1024, dtype=jnp.int64 if jax.config.jax_enable_x64 else jnp.int32)
    un_masked_indices = jax.random.randint(k3, (256,), 0, 1024, dtype=jnp.int64 if jax.config.jax_enable_x64 else jnp.int32)
    # learned mask token, zeros-initialized as in the Keras layer's build()
    mst = jnp.zeros((1, 1, 768), dtype=jnp.float32)
    return {"inputs": inputs, "mask_indices": mask_indices, "un_masked_indices": un_masked_indices, "mst": mst}


def reference(inputs, mask_indices, un_masked_indices, mst):
    batch_size = inputs.shape[0]
    hidden_size = inputs.shape[-1]
    mask_num = mask_indices.shape[0]
    mst_broadcasted = jnp.broadcast_to(mst, (batch_size, mask_num, hidden_size)).astype(inputs.dtype)
    indices = jnp.concatenate([mask_indices, un_masked_indices], axis=0)
    updates = jnp.concatenate([mst_broadcasted, inputs], axis=1)
    out = jnp.take(updates, indices, axis=1)
    return out

if __name__ == "__main__":
    import jax
    _d = setup_inputs()
    print(jax.jit(kernel)(*tuple(_d.values())))

</pallas_src>

<mosaic_0001>
#map = affine_map<(d0, d1) -> (0, 0)>
#map1 = affine_map<(d0, d1) -> (0)>
module attributes {stable_mosaic.version = 14 : i64} {
  func.func @_body(%arg0: i32, %arg1: i32, %arg2: memref<8192x768xf32, #tpu.memory_space<hbm>>, %arg3: memref<16x768xf32, #tpu.memory_space<hbm>>, %arg4: memref<16x64xi32, #tpu.memory_space<hbm>>, %arg5: memref<16x64xi32, #tpu.memory_space<hbm>>, %arg6: memref<64x16xi32, #tpu.memory_space<hbm>>, %arg7: memref<16xi32, #tpu.memory_space<hbm>>, %arg8: memref<16xi32, #tpu.memory_space<hbm>>, %arg9: memref<32768x768xf32, #tpu.memory_space<hbm>>, %arg10: memref<16x64xi32, #tpu.memory_space<vmem>>, %arg11: memref<16x64xi32, #tpu.memory_space<vmem>>, %arg12: memref<64x16xi32, #tpu.memory_space<vmem>>, %arg13: memref<16xi32, #tpu.memory_space<vmem>>, %arg14: memref<16xi32, #tpu.memory_space<vmem>>, %arg15: memref<16x768xf32, #tpu.memory_space<vmem>>, %arg16: memref<64x768xf32, #tpu.memory_space<vmem>>, %arg17: memref<64x768xf32, #tpu.memory_space<vmem>>, %arg18: memref<!tpu.dma_semaphore, #tpu.memory_space<semaphore_mem>>, %arg19: memref<!tpu.dma_semaphore, #tpu.memory_space<semaphore_mem>>, %arg20: memref<!tpu.dma_semaphore, #tpu.memory_space<semaphore_mem>>, %arg21: memref<!tpu.dma_semaphore, #tpu.memory_space<semaphore_mem>>, %arg22: memref<!tpu.dma_semaphore, #tpu.memory_space<semaphore_mem>>) attributes {dimension_semantics = [#tpu.dimension_semantics<core_parallel>, #tpu.dimension_semantics<subcore_parallel>], iteration_bounds = array<i64: 2, 16>, scalar_prefetch = 0 : i64, scratch_operands = 13 : i64, tpu.core_type = #tpu.core_type<sc_vector_subcore>, window_params = [{transform_indices = #map}, {transform_indices = #map}, {transform_indices = #map}, {transform_indices = #map}, {transform_indices = #map}, {transform_indices = #map1}, {transform_indices = #map1}, {transform_indices = #map}]} {
    %mul3A = arith.constant 2 : i32
    %mul3A_0 = arith.muli %arg1, %mul3A : i32
    %add3A = arith.addi %mul3A_0, %arg0 : i32
    %mul3A_1 = arith.constant 256 : i32
    %mul3A_2 = arith.muli %add3A, %mul3A_1 : i32
    %mul3A_3 = arith.constant 1024 : i32
    %mul3A_4 = arith.muli %add3A, %mul3A_3 : i32
    "tpu.region"() ({
      %run_scoped3A = tpu.sem_alloc : memref<!tpu.dma_semaphore, #tpu.memory_space<semaphore_mem>>
      tpu.enqueue_dma source(%arg4 : memref<16x64xi32, #tpu.memory_space<hbm>>) target(%arg10 : memref<16x64xi32, #tpu.memory_space<vmem>>) target_semaphore(%run_scoped3A : memref<!tpu.dma_semaphore, #tpu.memory_space<semaphore_mem>>)
      tpu.wait_dma2 semaphore(%run_scoped3A : memref<!tpu.dma_semaphore, #tpu.memory_space<semaphore_mem>>) src(%arg4 : memref<16x64xi32, #tpu.memory_space<hbm>>) dst(%arg10 : memref<16x64xi32, #tpu.memory_space<vmem>>)
      tpu.yield
    }) : () -> ()
    "tpu.region"() ({
      %run_scoped3A = tpu.sem_alloc : memref<!tpu.dma_semaphore, #tpu.memory_space<semaphore_mem>>
      tpu.enqueue_dma source(%arg5 : memref<16x64xi32, #tpu.memory_space<hbm>>) target(%arg11 : memref<16x64xi32, #tpu.memory_space<vmem>>) target_semaphore(%run_scoped3A : memref<!tpu.dma_semaphore, #tpu.memory_space<semaphore_mem>>)
      tpu.wait_dma2 semaphore(%run_scoped3A : memref<!tpu.dma_semaphore, #tpu.memory_space<semaphore_mem>>) src(%arg5 : memref<16x64xi32, #tpu.memory_space<hbm>>) dst(%arg11 : memref<16x64xi32, #tpu.memory_space<vmem>>)
      tpu.yield
    }) : () -> ()
    "tpu.region"() ({
      %run_scoped3A = tpu.sem_alloc : memref<!tpu.dma_semaphore, #tpu.memory_space<semaphore_mem>>
      tpu.enqueue_dma source(%arg6 : memref<64x16xi32, #tpu.memory_space<hbm>>) target(%arg12 : memref<64x16xi32, #tpu.memory_space<vmem>>) target_semaphore(%run_scoped3A : memref<!tpu.dma_semaphore, #tpu.memory_space<semaphore_mem>>)
      tpu.wait_dma2 semaphore(%run_scoped3A : memref<!tpu.dma_semaphore, #tpu.memory_space<semaphore_mem>>) src(%arg6 : memref<64x16xi32, #tpu.memory_space<hbm>>) dst(%arg12 : memref<64x16xi32, #tpu.memory_space<vmem>>)
      tpu.yield
    }) : () -> ()
    "tpu.region"() ({
      %run_scoped3A = tpu.sem_alloc : memref<!tpu.dma_semaphore, #tpu.memory_space<semaphore_mem>>
      tpu.enqueue_dma source(%arg7 : memref<16xi32, #tpu.memory_space<hbm>>) target(%arg13 : memref<16xi32, #tpu.memory_space<vmem>>) target_semaphore(%run_scoped3A : memref<!tpu.dma_semaphore, #tpu.memory_space<semaphore_mem>>)
      tpu.wait_dma2 semaphore(%run_scoped3A : memref<!tpu.dma_semaphore, #tpu.memory_space<semaphore_mem>>) src(%arg7 : memref<16xi32, #tpu.memory_space<hbm>>) dst(%arg13 : memref<16xi32, #tpu.memory_space<vmem>>)
      tpu.yield
    }) : () -> ()
    "tpu.region"() ({
      %run_scoped3A = tpu.sem_alloc : memref<!tpu.dma_semaphore, #tpu.memory_space<semaphore_mem>>
      tpu.enqueue_dma source(%arg8 : memref<16xi32, #tpu.memory_space<hbm>>) target(%arg14 : memref<16xi32, #tpu.memory_space<vmem>>) target_semaphore(%run_scoped3A : memref<!tpu.dma_semaphore, #tpu.memory_space<semaphore_mem>>)
      tpu.wait_dma2 semaphore(%run_scoped3A : memref<!tpu.dma_semaphore, #tpu.memory_space<semaphore_mem>>) src(%arg8 : memref<16xi32, #tpu.memory_space<hbm>>) dst(%arg14 : memref<16xi32, #tpu.memory_space<vmem>>)
      tpu.yield
    }) : () -> ()
    "tpu.region"() ({
      %run_scoped3A = tpu.sem_alloc : memref<!tpu.dma_semaphore, #tpu.memory_space<semaphore_mem>>
      tpu.enqueue_dma source(%arg3 : memref<16x768xf32, #tpu.memory_space<hbm>>) target(%arg15 : memref<16x768xf32, #tpu.memory_space<vmem>>) target_semaphore(%run_scoped3A : memref<!tpu.dma_semaphore, #tpu.memory_space<semaphore_mem>>)
      tpu.wait_dma2 semaphore(%run_scoped3A : memref<!tpu.dma_semaphore, #tpu.memory_space<semaphore_mem>>) src(%arg3 : memref<16x768xf32, #tpu.memory_space<hbm>>) dst(%arg15 : memref<16x768xf32, #tpu.memory_space<vmem>>)
      tpu.yield
    }) : () -> ()
    %get3A = arith.constant 0 : index
    %get3A_5 = tpu.vector_load %arg13[%get3A] {strides = array<i32>} : memref<16xi32, #tpu.memory_space<vmem>>, vector<16xi32>,
    %get3A_6 = vector.shape_cast %get3A_5 : vector<16xi32> to vector<16xi32>
    %slice3A = vector.extract_strided_slice %get3A_6 {offsets = [0], sizes = [1], strides = [1]} : vector<16xi32> to vector<1xi32>
    %squeeze3A = vector.extract %slice3A[0] : i32 from vector<1xi32>
    %get3A_7 = arith.constant 0 : index
    %get3A_8 = tpu.vector_load %arg14[%get3A_7] {strides = array<i32>} : memref<16xi32, #tpu.memory_space<vmem>>, vector<16xi32>,
    %get3A_9 = vector.shape_cast %get3A_8 : vector<16xi32> to vector<16xi32>
    %slice3A_10 = vector.extract_strided_slice %get3A_9 {offsets = [0], sizes = [1], strides = [1]} : vector<16xi32> to vector<1xi32>
    %squeeze3A_11 = vector.extract %slice3A_10[0] : i32 from vector<1xi32>
    %while3A = arith.constant 0 : i32
    %while3A_12 = arith.constant 0 : i32
    %while3A_13 = arith.subi %squeeze3A_11, %while3A_12 : i32
    %while3A_14 = arith.addi %while3A_12, %while3A_13 : i32
    %while3A_15 = arith.constant 1 : i32
    %while3A_16 = arith.divsi %while3A_13, %while3A_15 : i32
    %while3A_17 = arith.muli %while3A_16, %while3A_15 : i32
    %while3A_18 = arith.addi %while3A_12, %while3A_17 : i32
    %while3A_19 = arith.constant 1 : i32
    scf.for %while3A_59 = %while3A_12 to %while3A_18 step %while3A_19  : i32 {
      %dma_start3A = arith.constant 0 : i32
      %dma_start3A_60 = tpu.memref_slice %arg12[%while3A_59, %dma_start3A] : memref<64x16xi32, #tpu.memory_space<vmem>> -> memref<1x16xi32, #tpu.memory_space<vmem>>
      %dma_start3A_61 = tpu.memref_squeeze %dma_start3A_60 : memref<1x16xi32, #tpu.memory_space<vmem>> -> memref<16xi32, #tpu.memory_space<vmem>>
      %dma_start3A_62 = arith.constant 0 : i32
      %dma_start3A_63 = tpu.memref_slice %arg9[%mul3A_4, %dma_start3A_62] : memref<32768x768xf32, #tpu.memory_space<hbm>> -> memref<1024x768xf32, #tpu.memory_space<hbm>>
      %dma_start3A_64 = arith.constant 0 : i32
      %dma_start3A_65 = arith.constant 0 : i32
      %dma_start3A_66 = tpu.memref_slice %dma_start3A_63[%dma_start3A_64, %dma_start3A_65] : memref<1024x768xf32, #tpu.memory_space<hbm>> -> memref<1024x768xf32, #tpu.memory_space<hbm>>
      tpu.enqueue_indirect_dma source(%arg15 : memref<16x768xf32, #tpu.memory_space<vmem>>) target(%dma_start3A_66 : memref<1024x768xf32, #tpu.memory_space<hbm>>) offsets(%dma_start3A_61 : memref<16xi32, #tpu.memory_space<vmem>>) semaphore(%arg22 : memref<!tpu.dma_semaphore, #tpu.memory_space<semaphore_mem>>)
    }
    %while3A_20 = arith.constant 1 : i32
    scf.for %while3A_59 = %while3A_18 to %while3A_14 step %while3A_20  : i32 {
      %dma_start3A = arith.constant 0 : i32
      %dma_start3A_60 = tpu.memref_slice %arg12[%while3A_59, %dma_start3A] : memref<64x16xi32, #tpu.memory_space<vmem>> -> memref<1x16xi32, #tpu.memory_space<vmem>>
      %dma_start3A_61 = tpu.memref_squeeze %dma_start3A_60 : memref<1x16xi32, #tpu.memory_space<vmem>> -> memref<16xi32, #tpu.memory_space<vmem>>
      %dma_start3A_62 = arith.constant 0 : i32
      %dma_start3A_63 = tpu.memref_slice %arg9[%mul3A_4, %dma_start3A_62] : memref<32768x768xf32, #tpu.memory_space<hbm>> -> memref<1024x768xf32, #tpu.memory_space<hbm>>
      %dma_start3A_64 = arith.constant 0 : i32
      %dma_start3A_65 = arith.constant 0 : i32
      %dma_start3A_66 = tpu.memref_slice %dma_start3A_63[%dma_start3A_64, %dma_start3A_65] : memref<1024x768xf32, #tpu.memory_space<hbm>> -> memref<1024x768xf32, #tpu.memory_space<hbm>>
      tpu.enqueue_indirect_dma source(%arg15 : memref<16x768xf32, #tpu.memory_space<vmem>>) target(%dma_start3A_66 : memref<1024x768xf32, #tpu.memory_space<hbm>>) offsets(%dma_start3A_61 : memref<16xi32, #tpu.memory_space<vmem>>) semaphore(%arg22 : memref<!tpu.dma_semaphore, #tpu.memory_space<semaphore_mem>>)
    }
    %add3A_21 = arith.constant 1 : i32
    %add3A_22 = arith.addi %squeeze3A, %add3A_21 : i32
    %jit3A = arith.constant 2 : i32
    %div3A = arith.divsi %add3A_22, %jit3A : i32
    %sign3A = arith.constant 0 : i32
    %sign3A_23 = arith.cmpi sgt, %add3A_22, %sign3A : i32
    %sign3A_24 = arith.extui %sign3A_23 : i1 to i32
    %sign3A_25 = arith.constant 0 : i32
    %sign3A_26 = arith.cmpi slt, %add3A_22, %sign3A_25 : i32
    %sign3A_27 = arith.extui %sign3A_26 : i1 to i32
    %sign3A_28 = arith.subi %sign3A_24, %sign3A_27 : i32
    %sign3A_29 = arith.constant 0 : i32
    %sign3A_30 = arith.cmpi sgt, %jit3A, %sign3A_29 : i32
    %sign3A_31 = arith.extui %sign3A_30 : i1 to i32
    %sign3A_32 = arith.constant 0 : i32
    %sign3A_33 = arith.cmpi slt, %jit3A, %sign3A_32 : i32
    %sign3A_34 = arith.extui %sign3A_33 : i1 to i32
    %sign3A_35 = arith.subi %sign3A_31, %sign3A_34 : i32
    %ne3A = arith.cmpi ne, %sign3A_28, %sign3A_35 : i32
    %rem3A = arith.remsi %add3A_22, %jit3A : i32
    %ne3A_36 = arith.constant 0 : i32
    %ne3A_37 = arith.cmpi ne, %rem3A, %ne3A_36 : i32
    %and3A = arith.andi %ne3A, %ne3A_37 : i1
    %sub3A = arith.constant 1 : i32
    %sub3A_38 = arith.subi %div3A, %sub3A : i32
    %select_n3A = arith.select %and3A, %sub3A_38, %div3A : i32
    %while3A_39 = arith.constant 0 : i32
    %while3A_40 = arith.constant 0 : i32
    %while3A_41 = arith.subi %select_n3A, %while3A_40 : i32
    %while3A_42 = arith.addi %while3A_40, %while3A_41 : i32
    %while3A_43 = arith.constant 1 : i32
    %while3A_44 = arith.divsi %while3A_41, %while3A_43 : i32
    %while3A_45 = arith.muli %while3A_44, %while3A_43 : i32
    %while3A_46 = arith.addi %while3A_40, %while3A_45 : i32
    %while3A_47 = arith.constant 1 : i32
    scf.for %while3A_59 = %while3A_40 to %while3A_46 step %while3A_47  : i32 {
      %mul3A_60 = arith.constant 2 : i32
      %mul3A_61 = arith.muli %mul3A_60, %while3A_59 : i32
      %add3A_62 = arith.constant 1 : i32
      %add3A_63 = arith.addi %mul3A_61, %add3A_62 : i32
      %dma_start3A = arith.constant 0 : i32
      %dma_start3A_64 = tpu.memref_slice %arg10[%mul3A_61, %dma_start3A] : memref<16x64xi32, #tpu.memory_space<vmem>> -> memref<1x64xi32, #tpu.memory_space<vmem>>
      %dma_start3A_65 = tpu.memref_squeeze %dma_start3A_64 : memref<1x64xi32, #tpu.memory_space<vmem>> -> memref<64xi32, #tpu.memory_space<vmem>>
      %dma_start3A_66 = arith.constant 0 : i32
      %dma_start3A_67 = tpu.memref_slice %arg2[%mul3A_2, %dma_start3A_66] : memref<8192x768xf32, #tpu.memory_space<hbm>> -> memref<256x768xf32, #tpu.memory_space<hbm>>
      %dma_start3A_68 = arith.constant 0 : i32
      %dma_start3A_69 = arith.constant 0 : i32
      %dma_start3A_70 = tpu.memref_slice %dma_start3A_67[%dma_start3A_68, %dma_start3A_69] : memref<256x768xf32, #tpu.memory_space<hbm>> -> memref<256x768xf32, #tpu.memory_space<hbm>>
      tpu.enqueue_indirect_dma source(%dma_start3A_70 : memref<256x768xf32, #tpu.memory_space<hbm>>) target(%arg16 : memref<64x768xf32, #tpu.memory_space<vmem>>) offsets(%dma_start3A_65 : memref<64xi32, #tpu.memory_space<vmem>>) semaphore(%arg18 : memref<!tpu.dma_semaphore, #tpu.memory_space<semaphore_mem>>)
      %lt3A = arith.cmpi slt, %add3A_63, %squeeze3A : i32
      %convert_element_type3A = arith.extui %lt3A : i1 to i32
      %cond3A = arith.constant 0 : i32
      %cond3A_71 = arith.cmpi ne, %convert_element_type3A, %cond3A : i32
      scf.if %cond3A_71 {
        %dma_start3A_103 = arith.constant 0 : i32
        %dma_start3A_104 = tpu.memref_slice %arg10[%add3A_63, %dma_start3A_103] : memref<16x64xi32, #tpu.memory_space<vmem>> -> memref<1x64xi32, #tpu.memory_space<vmem>>
        %dma_start3A_105 = tpu.memref_squeeze %dma_start3A_104 : memref<1x64xi32, #tpu.memory_space<vmem>> -> memref<64xi32, #tpu.memory_space<vmem>>
        %dma_start3A_106 = arith.constant 0 : i32
        %dma_start3A_107 = tpu.memref_slice %arg2[%mul3A_2, %dma_start3A_106] : memref<8192x768xf32, #tpu.memory_space<hbm>> -> memref<256x768xf32, #tpu.memory_space<hbm>>
        %dma_start3A_108 = arith.constant 0 : i32
        %dma_start3A_109 = arith.constant 0 : i32
        %dma_start3A_110 = tpu.memref_slice %dma_start3A_107[%dma_start3A_108, %dma_start3A_109] : memref<256x768xf32, #tpu.memory_space<hbm>> -> memref<256x768xf32, #tpu.memory_space<hbm>>
        tpu.enqueue_indirect_dma source(%dma_start3A_110 : memref<256x768xf32, #tpu.memory_space<hbm>>) target(%arg17 : memref<64x768xf32, #tpu.memory_space<vmem>>) offsets(%dma_start3A_105 : memref<64xi32, #tpu.memory_space<vmem>>) semaphore(%arg19 : memref<!tpu.dma_semaphore, #tpu.memory_space<semaphore_mem>>)
      } else {
      }
      %dma_wait3A = arith.constant 0 : i32
      %dma_wait3A_72 = tpu.memref_slice %arg10[%mul3A_61, %dma_wait3A] : memref<16x64xi32, #tpu.memory_space<vmem>> -> memref<1x64xi32, #tpu.memory_space<vmem>>
      %dma_wait3A_73 = tpu.memref_squeeze %dma_wait3A_72 : memref<1x64xi32, #tpu.memory_space<vmem>> -> memref<64xi32, #tpu.memory_space<vmem>>
      %dma_wait3A_74 = arith.constant 0 : i32
      %dma_wait3A_75 = tpu.memref_slice %arg2[%mul3A_2, %dma_wait3A_74] : memref<8192x768xf32, #tpu.memory_space<hbm>> -> memref<256x768xf32, #tpu.memory_space<hbm>>
      %dma_wait3A_76 = arith.constant 0 : i32
      %dma_wait3A_77 = arith.constant 0 : i32
      %dma_wait3A_78 = tpu.memref_slice %dma_wait3A_75[%dma_wait3A_76, %dma_wait3A_77] : memref<256x768xf32, #tpu.memory_space<hbm>> -> memref<256x768xf32, #tpu.memory_space<hbm>>
      tpu.wait_indirect_dma semaphore(%arg18 : memref<!tpu.dma_semaphore, #tpu.memory_space<semaphore_mem>>) src(%dma_wait3A_78 : memref<256x768xf32, #tpu.memory_space<hbm>>) dst(%arg16 : memref<64x768xf32, #tpu.memory_space<vmem>>)
      %dma_start3A_79 = arith.constant 0 : i32
      %dma_start3A_80 = tpu.memref_slice %arg11[%mul3A_61, %dma_start3A_79] : memref<16x64xi32, #tpu.memory_space<vmem>> -> memref<1x64xi32, #tpu.memory_space<vmem>>
      %dma_start3A_81 = tpu.memref_squeeze %dma_start3A_80 : memref<1x64xi32, #tpu.memory_space<vmem>> -> memref<64xi32, #tpu.memory_space<vmem>>
      %dma_start3A_82 = arith.constant 0 : i32
      %dma_start3A_83 = tpu.memref_slice %arg9[%mul3A_4, %dma_start3A_82] : memref<32768x768xf32, #tpu.memory_space<hbm>> -> memref<1024x768xf32, #tpu.memory_space<hbm>>
      %dma_start3A_84 = arith.constant 0 : i32
      %dma_start3A_85 = arith.constant 0 : i32
      %dma_start3A_86 = tpu.memref_slice %dma_start3A_83[%dma_start3A_84, %dma_start3A_85] : memref<1024x768xf32, #tpu.memory_space<hbm>> -> memref<1024x768xf32, #tpu.memory_space<hbm>>
      tpu.enqueue_indirect_dma source(%arg16 : memref<64x768xf32, #tpu.memory_space<vmem>>) target(%dma_start3A_86 : memref<1024x768xf32, #tpu.memory_space<hbm>>) offsets(%dma_start3A_81 : memref<64xi32, #tpu.memory_space<vmem>>) semaphore(%arg20 : memref<!tpu.dma_semaphore, #tpu.memory_space<semaphore_mem>>)
      %lt3A_87 = arith.cmpi slt, %add3A_63, %squeeze3A : i32
      %convert_element_type3A_88 = arith.extui %lt3A_87 : i1 to i32
      %cond3A_89 = arith.constant 0 : i32
      %cond3A_90 = arith.cmpi ne, %convert_element_type3A_88, %cond3A_89 : i32
      scf.if %cond3A_90 {
        %dma_wait3A_103 = arith.constant 0 : i32
        %dma_wait3A_104 = tpu.memref_slice %arg10[%add3A_63, %dma_wait3A_103] : memref<16x64xi32, #tpu.memory_space<vmem>> -> memref<1x64xi32, #tpu.memory_space<vmem>>
        %dma_wait3A_105 = tpu.memref_squeeze %dma_wait3A_104 : memref<1x64xi32, #tpu.memory_space<vmem>> -> memref<64xi32, #tpu.memory_space<vmem>>
        %dma_wait3A_106 = arith.constant 0 : i32
        %dma_wait3A_107 = tpu.memref_slice %arg2[%mul3A_2, %dma_wait3A_106] : memref<8192x768xf32, #tpu.memory_space<hbm>> -> memref<256x768xf32, #tpu.memory_space<hbm>>
        %dma_wait3A_108 = arith.constant 0 : i32
        %dma_wait3A_109 = arith.constant 0 : i32
        %dma_wait3A_110 = tpu.memref_slice %dma_wait3A_107[%dma_wait3A_108, %dma_wait3A_109] : memref<256x768xf32, #tpu.memory_space<hbm>> -> memref<256x768xf32, #tpu.memory_space<hbm>>
        tpu.wait_indirect_dma semaphore(%arg19 : memref<!tpu.dma_semaphore, #tpu.memory_space<semaphore_mem>>) src(%dma_wait3A_110 : memref<256x768xf32, #tpu.memory_space<hbm>>) dst(%arg17 : memref<64x768xf32, #tpu.memory_space<vmem>>)
        %dma_start3A_111 = arith.constant 0 : i32
        %dma_start3A_112 = tpu.memref_slice %arg11[%add3A_63, %dma_start3A_111] : memref<16x64xi32, #tpu.memory_space<vmem>> -> memref<1x64xi32, #tpu.memory_space<vmem>>
        %dma_start3A_113 = tpu.memref_squeeze %dma_start3A_112 : memref<1x64xi32, #tpu.memory_space<vmem>> -> memref<64xi32, #tpu.memory_space<vmem>>
        %dma_start3A_114 = arith.constant 0 : i32
        %dma_start3A_115 = tpu.memref_slice %arg9[%mul3A_4, %dma_start3A_114] : memref<32768x768xf32, #tpu.memory_space<hbm>> -> memref<1024x768xf32, #tpu.memory_space<hbm>>
        %dma_start3A_116 = arith.constant 0 : i32
        %dma_start3A_117 = arith.constant 0 : i32
        %dma_start3A_118 = tpu.memref_slice %dma_start3A_115[%dma_start3A_116, %dma_start3A_117] : memref<1024x768xf32, #tpu.memory_space<hbm>> -> memref<1024x768xf32, #tpu.memory_space<hbm>>
        tpu.enqueue_indirect_dma source(%arg17 : memref<64x768xf32, #tpu.memory_space<vmem>>) target(%dma_start3A_118 : memref<1024x768xf32, #tpu.memory_space<hbm>>) offsets(%dma_start3A_113 : memref<64xi32, #tpu.memory_space<vmem>>) semaphore(%arg21 : memref<!tpu.dma_semaphore, #tpu.memory_space<semaphore_mem>>)
      } else {
      }
      %dma_wait3A_91 = arith.constant 0 : i32
      %dma_wait3A_92 = tpu.memref_slice %arg11[%mul3A_61, %dma_wait3A_91] : memref<16x64xi32, #tpu.memory_space<vmem>> -> memref<1x64xi32, #tpu.memory_space<vmem>>
      %dma_wait3A_93 = tpu.memref_squeeze %dma_wait3A_92 : memref<1x64xi32, #tpu.memory_space<vmem>> -> memref<64xi32, #tpu.memory_space<vmem>>
      %dma_wait3A_94 = arith.constant 0 : i32
      %dma_wait3A_95 = tpu.memref_slice %arg9[%mul3A_4, %dma_wait3A_94] : memref<32768x768xf32, #tpu.memory_space<hbm>> -> memref<1024x768xf32, #tpu.memory_space<hbm>>
      %dma_wait3A_96 = arith.constant 0 : i32
      %dma_wait3A_97 = arith.constant 0 : i32
      %dma_wait3A_98 = tpu.memref_slice %dma_wait3A_95[%dma_wait3A_96, %dma_wait3A_97] : memref<1024x768xf32, #tpu.memory_space<hbm>> -> memref<1024x768xf32, #tpu.memory_space<hbm>>
      tpu.wait_indirect_dma semaphore(%arg20 : memref<!tpu.dma_semaphore, #tpu.memory_space<semaphore_mem>>) src(%arg16 : memref<64x768xf32, #tpu.memory_space<vmem>>) dst(%dma_wait3A_98 : memref<1024x768xf32, #tpu.memory_space<hbm>>)
      %lt3A_99 = arith.cmpi slt, %add3A_63, %squeeze3A : i32
      %convert_element_type3A_100 = arith.extui %lt3A_99 : i1 to i32
      %cond3A_101 = arith.constant 0 : i32
      %cond3A_102 = arith.cmpi ne, %convert_element_type3A_100, %cond3A_101 : i32
      scf.if %cond3A_102 {
        %dma_wait3A_103 = arith.constant 0 : i32
        %dma_wait3A_104 = tpu.memref_slice %arg11[%add3A_63, %dma_wait3A_103] : memref<16x64xi32, #tpu.memory_space<vmem>> -> memref<1x64xi32, #tpu.memory_space<vmem>>
        %dma_wait3A_105 = tpu.memref_squeeze %dma_wait3A_104 : memref<1x64xi32, #tpu.memory_space<vmem>> -> memref<64xi32, #tpu.memory_space<vmem>>
        %dma_wait3A_106 = arith.constant 0 : i32
        %dma_wait3A_107 = tpu.memref_slice %arg9[%mul3A_4, %dma_wait3A_106] : memref<32768x768xf32, #tpu.memory_space<hbm>> -> memref<1024x768xf32, #tpu.memory_space<hbm>>
        %dma_wait3A_108 = arith.constant 0 : i32
        %dma_wait3A_109 = arith.constant 0 : i32
        %dma_wait3A_110 = tpu.memref_slice %dma_wait3A_107[%dma_wait3A_108, %dma_wait3A_109] : memref<1024x768xf32, #tpu.memory_space<hbm>> -> memref<1024x768xf32, #tpu.memory_space<hbm>>
        tpu.wait_indirect_dma semaphore(%arg21 : memref<!tpu.dma_semaphore, #tpu.memory_space<semaphore_mem>>) src(%arg17 : memref<64x768xf32, #tpu.memory_space<vmem>>) dst(%dma_wait3A_110 : memref<1024x768xf32, #tpu.memory_space<hbm>>)
      } else {
      }
    }
    %while3A_48 = arith.constant 1 : i32
    scf.for %while3A_59 = %while3A_46 to %while3A_42 step %while3A_48  : i32 {
      %mul3A_60 = arith.constant 2 : i32
      %mul3A_61 = arith.muli %mul3A_60, %while3A_59 : i32
      %add3A_62 = arith.constant 1 : i32
      %add3A_63 = arith.addi %mul3A_61, %add3A_62 : i32
      %dma_start3A = arith.constant 0 : i32
      %dma_start3A_64 = tpu.memref_slice %arg10[%mul3A_61, %dma_start3A] : memref<16x64xi32, #tpu.memory_space<vmem>> -> memref<1x64xi32, #tpu.memory_space<vmem>>
      %dma_start3A_65 = tpu.memref_squeeze %dma_start3A_64 : memref<1x64xi32, #tpu.memory_space<vmem>> -> memref<64xi32, #tpu.memory_space<vmem>>
      %dma_start3A_66 = arith.constant 0 : i32
      %dma_start3A_67 = tpu.memref_slice %arg2[%mul3A_2, %dma_start3A_66] : memref<8192x768xf32, #tpu.memory_space<hbm>> -> memref<256x768xf32, #tpu.memory_space<hbm>>
      %dma_start3A_68 = arith.constant 0 : i32
      %dma_start3A_69 = arith.constant 0 : i32
      %dma_start3A_70 = tpu.memref_slice %dma_start3A_67[%dma_start3A_68, %dma_start3A_69] : memref<256x768xf32, #tpu.memory_space<hbm>> -> memref<256x768xf32, #tpu.memory_space<hbm>>
      tpu.enqueue_indirect_dma source(%dma_start3A_70 : memref<256x768xf32, #tpu.memory_space<hbm>>) target(%arg16 : memref<64x768xf32, #tpu.memory_space<vmem>>) offsets(%dma_start3A_65 : memref<64xi32, #tpu.memory_space<vmem>>) semaphore(%arg18 : memref<!tpu.dma_semaphore, #tpu.memory_space<semaphore_mem>>)
      %lt3A = arith.cmpi slt, %add3A_63, %squeeze3A : i32
      %convert_element_type3A = arith.extui %lt3A : i1 to i32
      %cond3A = arith.constant 0 : i32
      %cond3A_71 = arith.cmpi ne, %convert_element_type3A, %cond3A : i32
      scf.if %cond3A_71 {
        %dma_start3A_103 = arith.constant 0 : i32
        %dma_start3A_104 = tpu.memref_slice %arg10[%add3A_63, %dma_start3A_103] : memref<16x64xi32, #tpu.memory_space<vmem>> -> memref<1x64xi32, #tpu.memory_space<vmem>>
        %dma_start3A_105 = tpu.memref_squeeze %dma_start3A_104 : memref<1x64xi32, #tpu.memory_space<vmem>> -> memref<64xi32, #tpu.memory_space<vmem>>
        %dma_start3A_106 = arith.constant 0 : i32
        %dma_start3A_107 = tpu.memref_slice %arg2[%mul3A_2, %dma_start3A_106] : memref<8192x768xf32, #tpu.memory_space<hbm>> -> memref<256x768xf32, #tpu.memory_space<hbm>>
        %dma_start3A_108 = arith.constant 0 : i32
        %dma_start3A_109 = arith.constant 0 : i32
        %dma_start3A_110 = tpu.memref_slice %dma_start3A_107[%dma_start3A_108, %dma_start3A_109] : memref<256x768xf32, #tpu.memory_space<hbm>> -> memref<256x768xf32, #tpu.memory_space<hbm>>
        tpu.enqueue_indirect_dma source(%dma_start3A_110 : memref<256x768xf32, #tpu.memory_space<hbm>>) target(%arg17 : memref<64x768xf32, #tpu.memory_space<vmem>>) offsets(%dma_start3A_105 : memref<64xi32, #tpu.memory_space<vmem>>) semaphore(%arg19 : memref<!tpu.dma_semaphore, #tpu.memory_space<semaphore_mem>>)
      } else {
      }
      %dma_wait3A = arith.constant 0 : i32
      %dma_wait3A_72 = tpu.memref_slice %arg10[%mul3A_61, %dma_wait3A] : memref<16x64xi32, #tpu.memory_space<vmem>> -> memref<1x64xi32, #tpu.memory_space<vmem>>
      %dma_wait3A_73 = tpu.memref_squeeze %dma_wait3A_72 : memref<1x64xi32, #tpu.memory_space<vmem>> -> memref<64xi32, #tpu.memory_space<vmem>>
      %dma_wait3A_74 = arith.constant 0 : i32
      %dma_wait3A_75 = tpu.memref_slice %arg2[%mul3A_2, %dma_wait3A_74] : memref<8192x768xf32, #tpu.memory_space<hbm>> -> memref<256x768xf32, #tpu.memory_space<hbm>>
      %dma_wait3A_76 = arith.constant 0 : i32
      %dma_wait3A_77 = arith.constant 0 : i32
      %dma_wait3A_78 = tpu.memref_slice %dma_wait3A_75[%dma_wait3A_76, %dma_wait3A_77] : memref<256x768xf32, #tpu.memory_space<hbm>> -> memref<256x768xf32, #tpu.memory_space<hbm>>
      tpu.wait_indirect_dma semaphore(%arg18 : memref<!tpu.dma_semaphore, #tpu.memory_space<semaphore_mem>>) src(%dma_wait3A_78 : memref<256x768xf32, #tpu.memory_space<hbm>>) dst(%arg16 : memref<64x768xf32, #tpu.memory_space<vmem>>)
      %dma_start3A_79 = arith.constant 0 : i32
      %dma_start3A_80 = tpu.memref_slice %arg11[%mul3A_61, %dma_start3A_79] : memref<16x64xi32, #tpu.memory_space<vmem>> -> memref<1x64xi32, #tpu.memory_space<vmem>>
      %dma_start3A_81 = tpu.memref_squeeze %dma_start3A_80 : memref<1x64xi32, #tpu.memory_space<vmem>> -> memref<64xi32, #tpu.memory_space<vmem>>
      %dma_start3A_82 = arith.constant 0 : i32
      %dma_start3A_83 = tpu.memref_slice %arg9[%mul3A_4, %dma_start3A_82] : memref<32768x768xf32, #tpu.memory_space<hbm>> -> memref<1024x768xf32, #tpu.memory_space<hbm>>
      %dma_start3A_84 = arith.constant 0 : i32
      %dma_start3A_85 = arith.constant 0 : i32
      %dma_start3A_86 = tpu.memref_slice %dma_start3A_83[%dma_start3A_84, %dma_start3A_85] : memref<1024x768xf32, #tpu.memory_space<hbm>> -> memref<1024x768xf32, #tpu.memory_space<hbm>>
      tpu.enqueue_indirect_dma source(%arg16 : memref<64x768xf32, #tpu.memory_space<vmem>>) target(%dma_start3A_86 : memref<1024x768xf32, #tpu.memory_space<hbm>>) offsets(%dma_start3A_81 : memref<64xi32, #tpu.memory_space<vmem>>) semaphore(%arg20 : memref<!tpu.dma_semaphore, #tpu.memory_space<semaphore_mem>>)
      %lt3A_87 = arith.cmpi slt, %add3A_63, %squeeze3A : i32
      %convert_element_type3A_88 = arith.extui %lt3A_87 : i1 to i32
      %cond3A_89 = arith.constant 0 : i32
      %cond3A_90 = arith.cmpi ne, %convert_element_type3A_88, %cond3A_89 : i32
      scf.if %cond3A_90 {
        %dma_wait3A_103 = arith.constant 0 : i32
        %dma_wait3A_104 = tpu.memref_slice %arg10[%add3A_63, %dma_wait3A_103] : memref<16x64xi32, #tpu.memory_space<vmem>> -> memref<1x64xi32, #tpu.memory_space<vmem>>
        %dma_wait3A_105 = tpu.memref_squeeze %dma_wait3A_104 : memref<1x64xi32, #tpu.memory_space<vmem>> -> memref<64xi32, #tpu.memory_space<vmem>>
        %dma_wait3A_106 = arith.constant 0 : i32
        %dma_wait3A_107 = tpu.memref_slice %arg2[%mul3A_2, %dma_wait3A_106] : memref<8192x768xf32, #tpu.memory_space<hbm>> -> memref<256x768xf32, #tpu.memory_space<hbm>>
        %dma_wait3A_108 = arith.constant 0 : i32
        %dma_wait3A_109 = arith.constant 0 : i32
        %dma_wait3A_110 = tpu.memref_slice %dma_wait3A_107[%dma_wait3A_108, %dma_wait3A_109] : memref<256x768xf32, #tpu.memory_space<hbm>> -> memref<256x768xf32, #tpu.memory_space<hbm>>
        tpu.wait_indirect_dma semaphore(%arg19 : memref<!tpu.dma_semaphore, #tpu.memory_space<semaphore_mem>>) src(%dma_wait3A_110 : memref<256x768xf32, #tpu.memory_space<hbm>>) dst(%arg17 : memref<64x768xf32, #tpu.memory_space<vmem>>)
        %dma_start3A_111 = arith.constant 0 : i32
        %dma_start3A_112 = tpu.memref_slice %arg11[%add3A_63, %dma_start3A_111] : memref<16x64xi32, #tpu.memory_space<vmem>> -> memref<1x64xi32, #tpu.memory_space<vmem>>
        %dma_start3A_113 = tpu.memref_squeeze %dma_start3A_112 : memref<1x64xi32, #tpu.memory_space<vmem>> -> memref<64xi32, #tpu.memory_space<vmem>>
        %dma_start3A_114 = arith.constant 0 : i32
        %dma_start3A_115 = tpu.memref_slice %arg9[%mul3A_4, %dma_start3A_114] : memref<32768x768xf32, #tpu.memory_space<hbm>> -> memref<1024x768xf32, #tpu.memory_space<hbm>>
        %dma_start3A_116 = arith.constant 0 : i32
        %dma_start3A_117 = arith.constant 0 : i32
        %dma_start3A_118 = tpu.memref_slice %dma_start3A_115[%dma_start3A_116, %dma_start3A_117] : memref<1024x768xf32, #tpu.memory_space<hbm>> -> memref<1024x768xf32, #tpu.memory_space<hbm>>
        tpu.enqueue_indirect_dma source(%arg17 : memref<64x768xf32, #tpu.memory_space<vmem>>) target(%dma_start3A_118 : memref<1024x768xf32, #tpu.memory_space<hbm>>) offsets(%dma_start3A_113 : memref<64xi32, #tpu.memory_space<vmem>>) semaphore(%arg21 : memref<!tpu.dma_semaphore, #tpu.memory_space<semaphore_mem>>)
      } else {
      }
      %dma_wait3A_91 = arith.constant 0 : i32
      %dma_wait3A_92 = tpu.memref_slice %arg11[%mul3A_61, %dma_wait3A_91] : memref<16x64xi32, #tpu.memory_space<vmem>> -> memref<1x64xi32, #tpu.memory_space<vmem>>
      %dma_wait3A_93 = tpu.memref_squeeze %dma_wait3A_92 : memref<1x64xi32, #tpu.memory_space<vmem>> -> memref<64xi32, #tpu.memory_space<vmem>>
      %dma_wait3A_94 = arith.constant 0 : i32
      %dma_wait3A_95 = tpu.memref_slice %arg9[%mul3A_4, %dma_wait3A_94] : memref<32768x768xf32, #tpu.memory_space<hbm>> -> memref<1024x768xf32, #tpu.memory_space<hbm>>
      %dma_wait3A_96 = arith.constant 0 : i32
      %dma_wait3A_97 = arith.constant 0 : i32
      %dma_wait3A_98 = tpu.memref_slice %dma_wait3A_95[%dma_wait3A_96, %dma_wait3A_97] : memref<1024x768xf32, #tpu.memory_space<hbm>> -> memref<1024x768xf32, #tpu.memory_space<hbm>>
      tpu.wait_indirect_dma semaphore(%arg20 : memref<!tpu.dma_semaphore, #tpu.memory_space<semaphore_mem>>) src(%arg16 : memref<64x768xf32, #tpu.memory_space<vmem>>) dst(%dma_wait3A_98 : memref<1024x768xf32, #tpu.memory_space<hbm>>)
      %lt3A_99 = arith.cmpi slt, %add3A_63, %squeeze3A : i32
      %convert_element_type3A_100 = arith.extui %lt3A_99 : i1 to i32
      %cond3A_101 = arith.constant 0 : i32
      %cond3A_102 = arith.cmpi ne, %convert_element_type3A_100, %cond3A_101 : i32
      scf.if %cond3A_102 {
        %dma_wait3A_103 = arith.constant 0 : i32
        %dma_wait3A_104 = tpu.memref_slice %arg11[%add3A_63, %dma_wait3A_103] : memref<16x64xi32, #tpu.memory_space<vmem>> -> memref<1x64xi32, #tpu.memory_space<vmem>>
        %dma_wait3A_105 = tpu.memref_squeeze %dma_wait3A_104 : memref<1x64xi32, #tpu.memory_space<vmem>> -> memref<64xi32, #tpu.memory_space<vmem>>
        %dma_wait3A_106 = arith.constant 0 : i32
        %dma_wait3A_107 = tpu.memref_slice %arg9[%mul3A_4, %dma_wait3A_106] : memref<32768x768xf32, #tpu.memory_space<hbm>> -> memref<1024x768xf32, #tpu.memory_space<hbm>>
        %dma_wait3A_108 = arith.constant 0 : i32
        %dma_wait3A_109 = arith.constant 0 : i32
        %dma_wait3A_110 = tpu.memref_slice %dma_wait3A_107[%dma_wait3A_108, %dma_wait3A_109] : memref<1024x768xf32, #tpu.memory_space<hbm>> -> memref<1024x768xf32, #tpu.memory_space<hbm>>
        tpu.wait_indirect_dma semaphore(%arg21 : memref<!tpu.dma_semaphore, #tpu.memory_space<semaphore_mem>>) src(%arg17 : memref<64x768xf32, #tpu.memory_space<vmem>>) dst(%dma_wait3A_110 : memref<1024x768xf32, #tpu.memory_space<hbm>>)
      } else {
      }
    }
    %while3A_49 = arith.constant 0 : i32
    %while3A_50 = arith.constant 0 : i32
    %while3A_51 = arith.subi %squeeze3A_11, %while3A_50 : i32
    %while3A_52 = arith.addi %while3A_50, %while3A_51 : i32
    %while3A_53 = arith.constant 1 : i32
    %while3A_54 = arith.divsi %while3A_51, %while3A_53 : i32
    %while3A_55 = arith.muli %while3A_54, %while3A_53 : i32
    %while3A_56 = arith.addi %while3A_50, %while3A_55 : i32
    %while3A_57 = arith.constant 1 : i32
    scf.for %while3A_59 = %while3A_50 to %while3A_56 step %while3A_57  : i32 {
      %dma_wait3A = arith.constant 0 : i32
      %dma_wait3A_60 = arith.constant 0 : i32
      %dma_wait3A_61 = tpu.memref_slice %arg12[%dma_wait3A, %dma_wait3A_60] : memref<64x16xi32, #tpu.memory_space<vmem>> -> memref<1x16xi32, #tpu.memory_space<vmem>>
      %dma_wait3A_62 = tpu.memref_squeeze %dma_wait3A_61 : memref<1x16xi32, #tpu.memory_space<vmem>> -> memref<16xi32, #tpu.memory_space<vmem>>
      %dma_wait3A_63 = arith.constant 0 : i32
      %dma_wait3A_64 = tpu.memref_slice %arg9[%mul3A_4, %dma_wait3A_63] : memref<32768x768xf32, #tpu.memory_space<hbm>> -> memref<1024x768xf32, #tpu.memory_space<hbm>>
      %dma_wait3A_65 = arith.constant 0 : i32
      %dma_wait3A_66 = arith.constant 0 : i32
      %dma_wait3A_67 = tpu.memref_slice %dma_wait3A_64[%dma_wait3A_65, %dma_wait3A_66] : memref<1024x768xf32, #tpu.memory_space<hbm>> -> memref<1024x768xf32, #tpu.memory_space<hbm>>
      tpu.wait_indirect_dma semaphore(%arg22 : memref<!tpu.dma_semaphore, #tpu.memory_space<semaphore_mem>>) src(%arg15 : memref<16x768xf32, #tpu.memory_space<vmem>>) dst(%dma_wait3A_67 : memref<1024x768xf32, #tpu.memory_space<hbm>>)
    }
    %while3A_58 = arith.constant 1 : i32
    scf.for %while3A_59 = %while3A_56 to %while3A_52 step %while3A_58  : i32 {
      %dma_wait3A = arith.constant 0 : i32
      %dma_wait3A_60 = arith.constant 0 : i32
      %dma_wait3A_61 = tpu.memref_slice %arg12[%dma_wait3A, %dma_wait3A_60] : memref<64x16xi32, #tpu.memory_space<vmem>> -> memref<1x16xi32, #tpu.memory_space<vmem>>
      %dma_wait3A_62 = tpu.memref_squeeze %dma_wait3A_61 : memref<1x16xi32, #tpu.memory_space<vmem>> -> memref<16xi32, #tpu.memory_space<vmem>>
      %dma_wait3A_63 = arith.constant 0 : i32
      %dma_wait3A_64 = tpu.memref_slice %arg9[%mul3A_4, %dma_wait3A_63] : memref<32768x768xf32, #tpu.memory_space<hbm>> -> memref<1024x768xf32, #tpu.memory_space<hbm>>
      %dma_wait3A_65 = arith.constant 0 : i32
      %dma_wait3A_66 = arith.constant 0 : i32
      %dma_wait3A_67 = tpu.memref_slice %dma_wait3A_64[%dma_wait3A_65, %dma_wait3A_66] : memref<1024x768xf32, #tpu.memory_space<hbm>> -> memref<1024x768xf32, #tpu.memory_space<hbm>>
      tpu.wait_indirect_dma semaphore(%arg22 : memref<!tpu.dma_semaphore, #tpu.memory_space<semaphore_mem>>) src(%arg15 : memref<16x768xf32, #tpu.memory_space<vmem>>) dst(%dma_wait3A_67 : memref<1024x768xf32, #tpu.memory_space<hbm>>)
    }
    return
  }
}

</mosaic_0001>

<sc_bundles>
// kernel: kernel.3.cloned.1.call-start
scs
__scs_entry_jumppad:
0x0: {  	(pc) =	sbr.rel $0x88, $3  }
0x1: {  	(tag) =	ssettag $0x0;
	lr =	simm.s32 $0x1  }
0x2: {  	[smem:$0x3F9D] =	sst lr;
	_ =	strace $0xD0000000  }
0x3: {  	_ = 	snop  }
0x4: {  	_ = 	snop  }
0x5: {  	_ = 	snop  }
0x6: {  	_ = 	snop  }
0x7: {  	_ = 	snop  }
__scs_overlays_trampoline_lowered:
0x8: {  	[smem:$0x3FAC] =	sst s0  }
0x9: {  	[smem:$0x3FAD] =	sst s1  }
0xa: {  	[smem:$0x3FAE] =	sst s2  }
0xb: {  	[smem:$0x3FAF] =	sst s3  }
0xc: {  	[smem:$0x3FB0] =	sst s4  }
0xd: {  	[smem:$0x3FB1] =	sst s5  }
0xe: {  	[smem:$0x3FB2] =	sst s6  }
0xf: {  	[smem:$0x3FB3] =	sst s7  }
0x10: {  	[smem:$0x3FB4] =	sst s8  }
0x11: {  	[smem:$0x3FB5] =	sst s9;
	s0 =	simm.s32 @!p0 $0x0  }
0x12: {  	s1 =	sld [smem:$0x3F9B];
	s0 =	simm.s32 @p0 $0x1  }
0x13: {  	[smem:$0x3FB6] =	sst s0;
	s0 =	simm.s32 @!p1 $0x0  }
0x14: {  	s2 =	sld [smem:$0x3F9A];
	s0 =	simm.s32 @p1 $0x1  }
0x15: {  	[smem:$0x3FB7] =	sst s0;
	s0 =	simm.s32 @!p2 $0x0  }
0x16: {  	s3 =	sld [smem:$0x3FDB];
	s0 =	simm.s32 @p2 $0x1  }
0x17: {  	s4 =	simm.s32 $0x1BF5;
	[smem:$0x3FB9] =	sst s0  }
0x18: {  	s0 =	sld [smem:$0x3F9C];
	_ =	swait.ge [sflag:s4], $0x0  }
0x19: {  	s7 =	sld [smem:$0x3F9D]  }
0x1a: {  	s8 =	sadd.s32 $0xFFFFE003, lr  }
0x1b: {  	s9 =	sadd.s32 $0xFFFFFEF7, lr;
	s5 =	simm.s32 $0xFFFFFFFF;
	p2 =	slt.u32 s8, $0xFFFFF086  }
0x1c: {  	p1 =	slt.u32 s9, $0xF7A;
	s5 =	simm.s32 @!p2 $0x0  }
0x1d: {  	s5 =	simm.s32 @p1 $0x1;
	p0 =	seq.s32 s7, s2  }
0x1e: {  	s7 =	smul.u32 @!p0 $0xF7A, s2;
	p2 =	seq.s32 @!p0 s5, $0x0  }
0x1f: {  	s9 =	smul.u32 $0xF7A, s1;
	s8 =	simm.s32 @!p0 $0x1BF5;
	p2 =	por !p2, p0  }
0x20: {  	[sflag:s8] =	ssyncset.s32 @!p0 $0xFFFFF086;
	s6 =	sadd.s32 @!p0 s3, s7;
	s7 =	simm.s32 @!p0 $0x108  }
0x21: {  	s3 =	sadd.s32 s3, s9;
	s6 =	sadd.s32 @!p0 $0x88, s6;
	s7 =	simm.s32 @p2 $0x1082  }
0x22: {  	[simem:s7], [sflag:s8] =	dma.local @!p0 [hbm:s6], $0xF7A  }
0x23: {  	s9 =	sor.u32 $0xD0000000, s2;
	s6 =	simm.s32 $0x108;
	_ =	swait.ge @!p0 [sflag:s8], $0x0  }
0x24: {  	s3 =	sadd.s32 $0x88, s3;
	s6 =	simm.s32 @!p1 $0x1082;
	[sflag:s4] =	ssyncset.s32 $0xFFFFF086  }
0x25: {  	[simem:s6], [sflag:s4] =	dma.local [hbm:s3], $0xF7A  }
0x26: {  	[smem:$0x3F9D] =	sst s1;
	(tag) =	ssettag s2;
	_ =	strace s9  }
0x27: {  	s1 =	sld [smem:$0x3FAD]  }
0x28: {  	s2 =	sld [smem:$0x3FAE]  }
0x29: {  	s4 =	sld [smem:$0x3FB0]  }
0x2a: {  	p0 =	seq.s32 s5, $0x0;
	s5 =	sld [smem:$0x3FB1]  }
0x2b: {  	s6 =	sld [smem:$0x3FB2]  }
0x2c: {  	s7 =	sld [smem:$0x3FB3]  }
0x2d: {  	s3 =	simm.s32 $0x108;
	s8 =	sld [smem:$0x3FB4]  }
0x2e: {  	s3 =	simm.s32 @!p0 $0x1082;
	s9 =	sld [smem:$0x3FB5]  }
0x2f: {  	lr =	sadd.s32 s0, s3;
	s0 =	sld [smem:$0x3FAC]  }
0x30: {  	s3 =	sld [smem:$0x3FAF]  }
0x31: {  	[smem:$0x3FB8] =	sst s10  }
0x32: {  	s10 =	sld [smem:$0x3FB6];
	_ =	sdelay $0x3  }
0x33: {  	p0 =	seq.s32 s10, $0x1;
	s10 =	sld [smem:$0x3FB8];
	_ =	sdelay $0x3  }
0x34: {  	[smem:$0x3FB8] =	sst s10  }
0x35: {  	s10 =	sld [smem:$0x3FB7];
	_ =	sdelay $0x3  }
0x36: {  	p1 =	seq.s32 s10, $0x1;
	s10 =	sld [smem:$0x3FB8];
	_ =	sdelay $0x3  }
0x37: {  	[smem:$0x3FB8] =	sst s10  }
0x38: {  	s10 =	sld [smem:$0x3FB9]  }
0x39: {  	_ = 	snop;
	(pc) =	sbr.ind lr, $3  }
0x3a: {  	_ = 	snop  }
0x3b: {  	_ = 	snop  }
0x3c: {  	p2 =	seq.s32 s10, $0x1;
	s10 =	sld [smem:$0x3FB8]  }
0x3d: {  	_ =	shalt  }
0x3e: {  	_ =	shalt  }
0x3f: {  	_ =	shalt  }
0x40: {  	_ =	shalt  }
0x41: {  	_ =	shalt  }
0x42: {  	_ =	shalt  }
0x43: {  	_ =	shalt  }
0x44: {  	_ =	shalt  }
0x45: {  	_ =	shalt  }
0x46: {  	_ =	shalt  }
0x47: {  	_ =	shalt  }
0x48: {  	_ =	shalt  }
0x49: {  	_ =	shalt  }
0x4a: {  	_ =	shalt  }
0x4b: {  	_ =	shalt  }
0x4c: {  	_ =	shalt  }
0x4d: {  	_ =	shalt  }
0x4e: {  	_ =	shalt  }
0x4f: {  	_ =	shalt  }
0x50: {  	_ =	shalt  }
0x51: {  	_ =	shalt  }
0x52: {  	_ =	shalt  }
0x53: {  	_ =	shalt  }
0x54: {  	_ =	shalt  }
0x55: {  	_ =	shalt  }
0x56: {  	_ =	shalt  }
0x57: {  	_ =	shalt  }
0x58: {  	_ =	shalt  }
0x59: {  	_ =	shalt  }
0x5a: {  	_ =	shalt  }
0x5b: {  	_ =	shalt  }
0x5c: {  	_ =	shalt  }
0x5d: {  	_ =	shalt  }
0x5e: {  	_ =	shalt  }
0x5f: {  	_ =	shalt  }
0x60: {  	_ =	shalt  }
0x61: {  	_ =	shalt  }
0x62: {  	_ =	shalt  }
0x63: {  	_ =	shalt  }
0x64: {  	_ =	shalt  }
0x65: {  	_ =	shalt  }
0x66: {  	_ =	shalt  }
0x67: {  	_ =	shalt  }
0x68: {  	_ =	shalt  }
0x69: {  	_ =	shalt  }
0x6a: {  	_ =	shalt  }
0x6b: {  	_ =	shalt  }
0x6c: {  	_ =	shalt  }
0x6d: {  	_ =	shalt  }
0x6e: {  	_ =	shalt  }
0x6f: {  	_ =	shalt  }
0x70: {  	_ =	shalt  }
0x71: {  	_ =	shalt  }
0x72: {  	_ =	shalt  }
0x73: {  	_ =	shalt  }
0x74: {  	_ =	shalt  }
0x75: {  	_ =	shalt  }
0x76: {  	_ =	shalt  }
0x77: {  	_ =	shalt  }
0x78: {  	_ =	shalt  }
0x79: {  	_ =	shalt  }
0x7a: {  	_ =	shalt  }
0x7b: {  	_ =	shalt  }
0x7c: {  	_ =	shalt  }
0x7d: {  	_ =	shalt  }
0x7e: {  	_ =	shalt  }
0x7f: {  	_ =	shalt  }
0x80: {  	_ =	shalt  }
0x81: {  	_ =	shalt  }
0x82: {  	_ =	shalt  }
0x83: {  	_ =	shalt  }
0x84: {  	_ =	shalt  }
0x85: {  	_ =	shalt  }
0x86: {  	_ =	shalt  }
0x87: {  	_ =	shalt  }
.Lfunc_end0:
.L_simem_size_0:
called_computation_lowered:
.L_overlay_start_0:
0x88: {  	s2 =	sld [smem:$0x3FD9]  }
0x89: {  	s3 =	sld [smem:$0x3FFE];
	_ =	sdelay $0x1  }
0x8a: {  	s1 =	srdreg.scid  }
0x8b: {  	s0 =	sand.u32 $0x1, s1  }
0x8c: {  	s17 =	sshll.u32 s0, $0xA;
	s2 =	sadd.s32 s3, s2  }
0x8d: {  	s2 =	sadd.s32 s2, s17  }
0x8e: {  	[smem:$0x3FC4] =	sst s2  }
0x8f: {  	_ = 	snop  }
0x90: {  	s2 =	sld [smem:$0x3FC9]  }
0x91: {  	s18 =	sld [smem:$0x3FD0];
	(tm) =	ssettm $0x1  }
0x92: {  	s4 =	sld [smem:$0x3FFB];
	_ =	sdelay $0x3  }
0x93: {  	_ =	strace s4  }
0x94: {  	s4 =	sld [smem:$0x3FFC];
	_ =	sdelay $0x3  }
0x95: {  	_ =	strace s4  }
0x96: {  	s4 =	sld [smem:$0x3FFD];
	_ =	sdelay $0x3  }
0x97: {  	_ =	strace s4  }
0x98: {  	_ =	strace $0x8FFFFFFF  }
0x99: {  	s19 =	sld [smem:$0x3FDB];
	_ =	sdelay $0x1  }
0x9a: {  	s5 =	simm.s32 $_scs_section_size  }
0x9b: {  	s6 =	simm.s32 $_size__tile_overlayer_lowered;
	s7 =	simm.s32 $_tile_overlayer_lowered  }
0x9c: {  	s22 =	simm.s32 $0x1BFF;
	s21 =	sshll.u32 s7, $0x1;
	s4 =	sadd.s32 s5, s19  }
0x9d: {  	s8 =	simm.s32 $0x0;
	s20 =	sshll.u32 s6, $0x1;
	s6 =	sadd.s32 s21, s4  }
0x9e: {  	[timem:s8], [sflag:s22] =	dma.local [hbm:s6], s20  }
0x9f: {  	_ =	swait.ge [sflag:s22], s20  }
0xa0: {  	s5 =	ssub.s32 $0x0, s20;
	[sflag:s22] =	ssyncset.done $0x0  }
0xa1: {  	[sflag:s22] =	ssyncadd.s32 s5;
	_ =	sdelay $0x1  }
0xa2: {  	s23 =	simm.s32 $0x1B8B  }
0xa3: {  	_ =	swait.ge [sflag:s23], $0x1  }
0xa4: {  	[sflag:s23] =	ssyncset.done $0x0  }
0xa5: {  	s25 =	simm.s32 $0x1B8E;
	s24 =	sld [smem:$0x3FFE];
	[sflag:s23] =	ssyncadd.s32 $0xFFFFFFFF  }
0xa6: {  	s26 =	simm.s32 $execute0_lowered;
	[smem:$0x3FD2] =	sst s25  }
0xa7: {  	s6 =	sshll.u32 s26, $0x1;
	_ =	strace $0x80000046;
	[dreg:$0x1] =	wrdreg $0xFFFFFFFF  }
0xa8: {  	s28 =	simm.s32 $_size_execute0_lowered;
	s4 =	sadd.s32 s4, s6;
	[dreg:$0x0] =	wrdreg $0x0  }
0xa9: {  	s6 =	sshll.u32 s28, $0x1;
	[dreg:$0x2] =	wrdreg s4  }
0xaa: {  	[dreg:$0x3] =	wrdreg s6  }
0xab: {  	[dreg:$0x4] =	wrdreg $0xC0  }
0xac: {  	_ =	task [dreg:s8], $0x5FFFF  }
0xad: {  	[dreg:$0x1] =	wrdreg $0xFFFFFFFF  }
0xae: {  	[dreg:$0x0] =	wrdreg $0x60  }
0xaf: {  	[dreg:$0x2] =	wrdreg s2  }
0xb0: {  	[dreg:$0x3] =	wrdreg s24  }
0xb1: {  	[dreg:$0x4] =	wrdreg s18  }
0xb2: {  	[dreg:$0x5] =	wrdreg $0x9  }
0xb3: {  	_ =	task.clear_ibuf [dreg:s8], $0x6FFFF;
	_ =	strace $0x90000046  }
0xb4: {  	s29 =	simm.s32 $0x9;
	_ =	strace $0x80000048  }
0xb5: {  	_ =	swait.ge [sflag:s29], $0x1  }
0xb6: {  	[sflag:s29] =	ssyncadd.s32 $0xFFFFFFFF  }
0xb7: {  	_ =	strace $0x90000048  }
0xb8: {  	_ =	sfence  }
0xb9: {  	s30 =	sld [smem:$0x0];
	_ =	sdelay $0x2  }
0xba: {  	s31 =	sshll.u32 s1, $0xD;
	s1 =	sshrl.u32 s1, $0x2  }
0xbb: {  	s3 =	sand.u32 $0x4000, s31;
	s1 =	sadd.s32 s1, s30  }
0xbc: {  	s0 =	sor.u32 s3, s0;
	s1 =	sshll.u32 s1, $0x11  }
0xbd: {  	s0 =	sor.u32 s1, s0  }
0xbe: {  	s0 =	sadd.s32 $0x8F2B, s0  }
0xbf: {  	[sflag:s0] =	ssyncadd.remote.s32 $0x1  }
0xc0: {  	_ =	sfence.sel $0xFFFF  }
0xc1: {  	[dreg:$0x0] =	wrdreg $0xFFFFFFFF;
	(pc) =	sbr.abs _section_cstart, $3  }
0xc2: {  	[dreg:$0x1] =	wrdreg $0xFFFFFFFF  }
0xc3: {  	_ =	task.clear_ibuf [dreg:s8], $0x2FFFF;
	_ =	strace $0x9FFFFFFF  }
0xc4: {  	(tm) =	ssettm $0x7FFFFFFF  }
0xc5: {  	_ =	shalt  }
tec
execute0_lowered:
.L_overlay_start_1:
0x0: {  	(tag) =	ssettag $0x1  }
0x1: {  	s0 =	rddreg [dreg:$0x0]  }
0x2: {  	s1 =	rddreg [dreg:$0x1]  }
0x3: {  	s3 =	rddreg [dreg:$0x2]  }
0x4: {  	s2 =	simm.s32 $0x0;
	s4 =	srdreg.scid;
	s5 =	stileid.u32  }
0x5: {  	s17 =	simm.s32 $0x3100;
	s19 =	simm.s32 $0x3900;
	s11 =	simm.s32 $0xE900  }
0x6: {  	s12 =	simm.s32 $0xF100;
	s28 =	simm.s32 $0x10100;
	s29 =	simm.s32 $0x10900  }
0x7: {  	s30 =	simm.s32 $0x11100;
	[smem:$0x7FF] =	sst s2;
	s6 =	sadd.s32 $0xE00, s1  }
0x8: {  	s21 =	sadd.s32 $0x600, s1;
	_ =	strace $0x80000047;
	[dreg:$0x4] =	wrdreg s6  }
0x9: {  	s31 =	simm.s32 $0x11900;
	s22 =	sadd.s32 $0x800, s1;
	[dreg:$0x5] =	wrdreg s21  }
0xa: {  	s4 =	sand.u32 $0x1, s4;
	s7 =	sadd.s32 $0xA00, s1;
	[dreg:$0x6] =	wrdreg s22  }
0xb: {  	s5 =	sshll.u32 s5, $0x1;
	s8 =	sadd.s32 $0x200, s1;
	[dreg:$0x7] =	wrdreg s7  }
0xc: {  	s1 =	sadd.s32 $0x400, s1;
	s5 =	sor.u32 s4, s5;
	[dreg:$0x8] =	wrdreg s8  }
0xd: {  	s4 =	ssub.s32 $0x2, s4;
	[dreg:$0x9] =	wrdreg s1;
	s21 =	simm.s32 $0x4100  }
0xe: {  	s22 =	simm.s32 $0x4900;
	s6 =	simm.s32 $0xD100;
	s23 =	smul.u32 $0x18000, s5  }
0xf: {  	s7 =	simm.s32 $0xD900;
	s24 =	sshrl.u32 s4, $0x1;
	s5 =	smul.u32 $0x6000, s5  }
.Ltmp0:
0x10: {  	s8 =	simm.s32 $0xE100;
	s25 =	ssub.s32 s4, s24;
	(pc) =	sbr.rel .LBB2_1-.Ltmp0, $4  }
0x11: {  	s24 =	simm.s32 $0x5900;
	s9 =	sadd.s32 s3, s23;
	s10 =	sadd.s32 s0, s5  }
0x12: {  	v2 =	vlaneseq.u32;
	s26 =	smax.u32 s25, $0x1;
	s23 =	simm.s32 $0x5100;
	s25 =	simm.s32 $0x1  }
0x13: {  	vm0 =	vmmov $0xffff;
	v1 =	vshrl.u32 v2, $0x3;
	s0 =	simm.s32 $0x5;
	s3 =	simm.s32 $0x0;
	[dreg:$0xa] =	wrdreg s26  }
0x14: {  	v0 =	vand.u32 $0x7, v2;
	v2 =	vor.u32 $0x8, v2;
	v1 =	vmul.u32 $0x8, v1;
	s18 =	sadd.s32 $0x100, s9;
	s20 =	sadd.s32 $0x200, s9;
	s26 =	simm.s32 $0xF900  }
.LBB2_15:
0x15: {  	[sflag:s0] =	ssyncadd.s32 $0xFFFFD000  }
.LBB2_16:
0x16: {  	s3 =	sadd.s32 $0x1, s3;
	s1 =	rddreg [dreg:$0xa]  }
0x17: {  	p0 =	sne.s32 s3, s1  }
.Ltmp1:
0x18: {  	_ = 	snop;
	(pc) =	sbr.rel @!p0 .LBB2_17-.Ltmp1, $1  }
0x19: {  	_ =	sdelay $0x3  }
.LBB2_1:
0x1a: {  	[dreg:$0xb] =	wrdreg s3  }
0x1b: {  	s1 =	rddreg [dreg:$0x5];
	s3 =	simm.s32 $0x6  }
0x1c: {  	[tilespmem:s2], [sflag:$0x6] =	stream.linear.gather [hbm4b:s1+s2], $0x800, $0x38;
	[tilespmem:$0x1E100] =	vst v63  }
0x1d: {  	_ =	swait.ge [sflag:s3], $0x800  }
0x1e: {  	[sflag:s3] =	ssyncset.done $0x0  }
0x1f: {  	s4 =	simm.s32 $0x800;
	s14 =	rddreg [dreg:$0x6];
	[sflag:s3] =	ssyncadd.s32 $0xFFFFF800  }
0x20: {  	[tilespmem:s4], [sflag:$0x6] =	stream.linear.gather [hbm4b:s14+s2], $0x800, $0x38;
	[tilespmem:$0x1E100] =	vst v63  }
0x21: {  	_ =	swait.ge [sflag:s3], $0x800  }
0x22: {  	[sflag:s3] =	ssyncset.done $0x0  }
0x23: {  	s16 =	simm.s32 $0x1000;
	s15 =	rddreg [dreg:$0x7];
	[sflag:s3] =	ssyncadd.s32 $0xFFFFF800  }
0x24: {  	[tilespmem:s16], [sflag:$0x6] =	stream.linear.gather [hbm4b:s15+s2], $0x2000, $0x38;
	[tilespmem:$0x1E100] =	vst v63  }
0x25: {  	_ =	swait.ge [sflag:s3], $0x2000  }
0x26: {  	[sflag:s3] =	ssyncset.done $0x0  }
0x27: {  	s13 =	simm.s32 $0x3000;
	s5 =	rddreg [dreg:$0x8];
	[sflag:s3] =	ssyncadd.s32 $0xFFFFE000  }
0x28: {  	[tilespmem:s13], [sflag:$0x6] =	stream.linear.gather [hbm4b:s5+s2], $0x80, $0x38;
	[tilespmem:$0x1E100] =	vst v63  }
0x29: {  	_ =	swait.ge [sflag:s3], $0x80  }
0x2a: {  	[sflag:s3] =	ssyncset.done $0x0  }
0x2b: {  	s15 =	simm.s32 $0x3080;
	s14 =	rddreg [dreg:$0x9];
	[sflag:s3] =	ssyncadd.s32 $0xFFFFFF80  }
0x2c: {  	[tilespmem:s15], [sflag:$0x6] =	stream.linear.gather [hbm4b:s14+s2], $0x80, $0x38;
	[tilespmem:$0x1E100] =	vst v63  }
0x2d: {  	_ =	swait.ge [sflag:s3], $0x80  }
0x2e: {  	[sflag:s3] =	ssyncset.done $0x0  }
0x2f: {  	s16 =	rddreg [dreg:$0x4];
	[sflag:s3] =	ssyncadd.s32 $0xFFFFFF80  }
0x30: {  	[tilespmem:s17], [sflag:$0x6] =	stream.linear.gather [hbm4b:s16+s2], $0x3000, $0x38;
	[tilespmem:$0x1E100] =	vst v63  }
0x31: {  	_ =	swait.ge [sflag:s3], $0x3000  }
0x32: {  	[sflag:s3] =	ssyncset.done $0x0  }
0x33: {  	[sflag:s3] =	ssyncadd.s32 $0xFFFFD000  }
0x34: {  	v3 =	vld [tilespmem:$0x3000]  }
0x35: {  	v4 =	vld [tilespmem:$0x3080];
	_ =	sdelay $0x3  }
0x36: {  	(v2sf) =	vpush v3, $0x0  }
0x37: {  	(v2sf) =	vpush v4, $0x0;
	_ =	sdelay $0xd  }
0x38: {  	s1 =	spop (v2sf)  }
0x39: {  	s5 =	spop (v2sf)  }
0x3a: {  	p0 =	slt.s32 s5, $0x1  }
.Ltmp2:
0x3b: {  	_ = 	snop;
	(pc) =	sbr.rel @p0 .LBB2_5-.Ltmp2, $1  }
0x3c: {  	_ =	sdelay $0x3  }
0x3d: {  	s3 =	simm.s32 $0x1000  }
0x3e: {  	v3 =	vld [tilespmem:s3+$0x0];
	_ =	sdelay $0x4  }
0x3f: {  	v4 =	vshrl.u32 v3, $0x3  }
0x40: {  	v4 =	vmul.u32 $0x30, v4  }
0x41: {  	v3 =	vand.u32 $0x7, v3  }
0x42: {  	v3 =	vor.u32 v3, v4  }
0x43: {  	v4 =	vperm.xlane v3, v0;
	_ =	sdelay $0x1  }
0x44: {  	v4 =	vadd.s32 v1, v4;
	_ =	sdelay $0x4  }
0x45: {  	v3 =	vperm.xlane v3, v2;
	[hbm4b:s9+s2] =	stream.indirect_vreg.scatter [tilespmem:s17], [sflag:$0x5], $0x80, v4, vm0, $0xb8;
	[tilespmem:$0x1E100] =	vst v63  }
0x46: {  	_ = 	snop  }
0x47: {  	v3 =	vadd.s32 v1, v3;
	[hbm4b:s18+s2] =	stream.indirect_vreg.scatter [tilespmem:s19], [sflag:$0x5], $0x80, v4, vm0, $0xb8;
	[tilespmem:$0x1E100] =	vst v63  }
0x48: {  	p0 =	sne.s32 s5, $0x1  }
0x49: {  	[hbm4b:s20+s2] =	stream.indirect_vreg.scatter [tilespmem:s21], [sflag:$0x5], $0x80, v4, vm0, $0xb8;
	[tilespmem:$0x1E100] =	vst v63  }
.Ltmp3:
0x4a: {  	_ = 	snop;
	(pc) =	sbr.rel @!p0 .LBB2_4-.Ltmp3, $4  }
0x4b: {  	_ = 	snop  }
0x4c: {  	[hbm4b:s9+s2] =	stream.indirect_vreg.scatter [tilespmem:s22], [sflag:$0x5], $0x80, v3, vm0, $0xb8;
	[tilespmem:$0x1E100] =	vst v63  }
0x4d: {  	s4 =	simm.s32 $0x1080;
	s3 =	sadd.s32 $0xFFFFFFFF, s5  }
0x4e: {  	[hbm4b:s18+s2] =	stream.indirect_vreg.scatter [tilespmem:s23], [sflag:$0x5], $0x80, v3, vm0, $0xb8;
	[tilespmem:$0x1E100] =	vst v63  }
.LBB2_3:
0x4f: {  	[hbm4b:s20+s2] =	stream.indirect_vreg.scatter [tilespmem:s24], [sflag:$0x5], $0x80, v3, vm0, $0xb8;
	[tilespmem:$0x1E100] =	vst v63  }
0x50: {  	p0 =	sne.s32 s3, $0x1;
	s3 =	sadd.s32 $0xFFFFFFFF, s3;
	v3 =	vld [tilespmem:s4+$0x0];
	_ =	sdelay $0x4  }
0x51: {  	v4 =	vshrl.u32 v3, $0x3  }
0x52: {  	v4 =	vmul.u32 $0x30, v4  }
0x53: {  	v3 =	vand.u32 $0x7, v3  }
0x54: {  	v3 =	vor.u32 v3, v4  }
0x55: {  	v4 =	vperm.xlane v3, v0;
	v3 =	vperm.xlane v3, v2;
	_ =	sdelay $0x1  }
0x56: {  	v4 =	vadd.s32 v1, v4;
	_ =	sdelay $0x4  }
0x57: {  	[hbm4b:s9+s2] =	stream.indirect_vreg.scatter [tilespmem:s17], [sflag:$0x5], $0x80, v4, vm0, $0xb8;
	[tilespmem:$0x1E100] =	vst v63  }
0x58: {  	v3 =	vadd.s32 v1, v3  }
0x59: {  	[hbm4b:s18+s2] =	stream.indirect_vreg.scatter [tilespmem:s19], [sflag:$0x5], $0x80, v4, vm0, $0xb8;
	[tilespmem:$0x1E100] =	vst v63  }
0x5a: {  	_ = 	snop  }
0x5b: {  	[hbm4b:s20+s2] =	stream.indirect_vreg.scatter [tilespmem:s21], [sflag:$0x5], $0x80, v4, vm0, $0xb8;
	[tilespmem:$0x1E100] =	vst v63  }
.Ltmp4:
0x5c: {  	(pc) =	sbr.rel @p0 .LBB2_3-.Ltmp4, $4  }
0x5d: {  	[hbm4b:s9+s2] =	stream.indirect_vreg.scatter [tilespmem:s22], [sflag:$0x5], $0x80, v3, vm0, $0xb8;
	[tilespmem:$0x1E100] =	vst v63  }
0x5e: {  	_ = 	snop  }
0x5f: {  	[hbm4b:s18+s2] =	stream.indirect_vreg.scatter [tilespmem:s23], [sflag:$0x5], $0x80, v3, vm0, $0xb8;
	[tilespmem:$0x1E100] =	vst v63  }
0x60: {  	s4 =	sadd.s32 $0x80, s4  }
.LBB2_4:
0x61: {  	_ =	sdelay $0x3  }
0x62: {  	[hbm4b:s20+s2] =	stream.indirect_vreg.scatter [tilespmem:s24], [sflag:$0x5], $0x80, v3, vm0, $0xb8;
	[tilespmem:$0x1E100] =	vst v63  }
.LBB2_5:
0x63: {  	s3 =	sadd.s32 $0x1, s1;
	p0 =	slt.u32 s1, $0x7FFFFFFF;
	s4 =	simm.s32 $0x1  }
0x64: {  	s4 =	simm.s32 @!p0 $0x0;
	s13 =	sshra.s32 s3, $0x1F  }
0x65: {  	s15 =	sand.u32 $0x1, s3;
	s4 =	sadd.s32 s4, s13  }
0x66: {  	p1 =	seq.s32 s15, $0x1;
	p6 =	sne.s32 s4, $0x1  }
0x67: {  	s16 =	sshrl.u32 s3, $0x1F;
	p0 =	por !p6, !p1  }
0x68: {  	s3 =	sadd.s32 s16, s3;
	s4 =	simm.s32 $0x1;
	p0 =	por !p0, !p0  }
0x69: {  	s3 =	sshra.s32 s3, $0x1;
	s4 =	simm.s32 @!p0 $0x0  }
0x6a: {  	s13 =	ssub.s32 s3, s4  }
0x6b: {  	p0 =	slt.s32 s13, $0x1  }
.Ltmp5:
0x6c: {  	_ = 	snop;
	(pc) =	sbr.rel @p0 .LBB2_12-.Ltmp5, $2  }
0x6d: {  	_ =	sdelay $0x2  }
0x6e: {  	[dreg:$0xc] =	wrdreg s5  }
.Ltmp6:
0x6f: {  	(pc) =	sbr.rel .LBB2_7-.Ltmp6, $2  }
0x70: {  	_ =	sdelay $0x2  }
0x71: {  	s14 =	simm.s32 $0x1;
	s15 =	simm.s32 $0x80;
	s16 =	simm.s32 $0x880  }
.LBB2_11:
0x72: {  	s13 =	sadd.s32 $0xFFFFFFFF, s13  }
0x73: {  	p0 =	seq.s32 s13, $0x0  }
.Ltmp7:
0x74: {  	_ = 	snop;
	(pc) =	sbr.rel @p0 .LBB2_12-.Ltmp7, $4  }
0x75: {  	_ = 	snop  }
0x76: {  	_ =	swait.ge [sflag:s3], $0xC000  }
0x77: {  	s14 =	sadd.s32 $0x2, s14;
	[sflag:s3] =	ssyncset.done $0x0  }
0x78: {  	s15 =	sadd.s32 $0x100, s15;
	s16 =	sadd.s32 $0x100, s16;
	[sflag:s3] =	ssyncadd.s32 $0xFFFF4000  }
.LBB2_7:
0x79: {  	v3 =	vld [tilespmem:s15+$0xFFFFFF80];
	_ =	sdelay $0x4  }
0x7a: {  	v4 =	vshrl.u32 v3, $0x3  }
0x7b: {  	v4 =	vmul.u32 $0x30, v4  }
0x7c: {  	v3 =	vand.u32 $0x7, v3  }
0x7d: {  	v3 =	vor.u32 v3, v4  }
0x7e: {  	v4 =	vperm.xlane v3, v0;
	_ =	sdelay $0x1  }
0x7f: {  	v4 =	vadd.s32 v1, v4;
	_ =	sdelay $0x3  }
0x80: {  	s3 =	simm.s32 $0x6100;
	v3 =	vperm.xlane v3, v2  }
0x81: {  	[tilespmem:s3], [sflag:$0x1] =	stream.indirect_vreg.gather [hbm4b:s10+s2], $0x80, v4, vm0, $0xb8;
	[tilespmem:$0x1E100] =	vst v63  }
0x82: {  	s4 =	simm.s32 $0x6900;
	v3 =	vadd.s32 v1, v3;
	s3 =	sadd.s32 $0x100, s10  }
0x83: {  	[tilespmem:s4], [sflag:$0x1] =	stream.indirect_vreg.gather [hbm4b:s3+s2], $0x80, v4, vm0, $0xb8;
	[tilespmem:$0x1E100] =	vst v63  }
0x84: {  	s5 =	simm.s32 $0x7100;
	s4 =	sadd.s32 $0x200, s10  }
0x85: {  	[tilespmem:s5], [sflag:$0x1] =	stream.indirect_vreg.gather [hbm4b:s4+s2], $0x80, v4, vm0, $0xb8;
	[tilespmem:$0x1E100] =	vst v63  }
0x86: {  	s5 =	simm.s32 $0x7900  }
0x87: {  	[tilespmem:s5], [sflag:$0x1] =	stream.indirect_vreg.gather [hbm4b:s10+s2], $0x80, v3, vm0, $0xb8;
	[tilespmem:$0x1E100] =	vst v63  }
0x88: {  	s5 =	simm.s32 $0x8100  }
0x89: {  	[tilespmem:s5], [sflag:$0x1] =	stream.indirect_vreg.gather [hbm4b:s3+s2], $0x80, v3, vm0, $0xb8;
	[tilespmem:$0x1E100] =	vst v63  }
0x8a: {  	s5 =	simm.s32 $0x8900  }
0x8b: {  	[tilespmem:s5], [sflag:$0x1] =	stream.indirect_vreg.gather [hbm4b:s4+s2], $0x80, v3, vm0, $0xb8;
	[tilespmem:$0x1E100] =	vst v63  }
0x8c: {  	v3 =	vld [tilespmem:s15+$0xFFFFFF90];
	_ =	sdelay $0x4  }
0x8d: {  	v61 =	vshrl.u32 v3, $0x3  }
0x8e: {  	v4 =	vmul.u32 $0x30, v61  }
0x8f: {  	v3 =	vand.u32 $0x7, v3  }
0x90: {  	v3 =	vor.u32 v3, v4  }
0x91: {  	v4 =	vperm.xlane v3, v0;
	_ =	sdelay $0x1  }
0x92: {  	v4 =	vadd.s32 v1, v4;
	_ =	sdelay $0x3  }
0x93: {  	s5 =	simm.s32 $0x9100;
	v3 =	vperm.xlane v3, v2  }
0x94: {  	[tilespmem:s5], [sflag:$0x1] =	stream.indirect_vreg.gather [hbm4b:s10+s2], $0x80, v4, vm0, $0xb8;
	[tilespmem:$0x1E100] =	vst v63  }
0x95: {  	v3 =	vadd.s32 v1, v3;
	s5 =	simm.s32 $0x9900  }
0x96: {  	[tilespmem:s5], [sflag:$0x1] =	stream.indirect_vreg.gather [hbm4b:s3+s2], $0x80, v4, vm0, $0xb8;
	[tilespmem:$0x1E100] =	vst v63  }
0x97: {  	s5 =	simm.s32 $0xA100  }
0x98: {  	[tilespmem:s5], [sflag:$0x1] =	stream.indirect_vreg.gather [hbm4b:s4+s2], $0x80, v4, vm0, $0xb8;
	[tilespmem:$0x1E100] =	vst v63  }
0x99: {  	s5 =	simm.s32 $0xA900  }
0x9a: {  	[tilespmem:s5], [sflag:$0x1] =	stream.indirect_vreg.gather [hbm4b:s10+s2], $0x80, v3, vm0, $0xb8;
	[tilespmem:$0x1E100] =	vst v63  }
0x9b: {  	s5 =	simm.s32 $0xB100  }
0x9c: {  	[tilespmem:s5], [sflag:$0x1] =	stream.indirect_vreg.gather [hbm4b:s3+s2], $0x80, v3, vm0, $0xb8;
	[tilespmem:$0x1E100] =	vst v63  }
0x9d: {  	s5 =	simm.s32 $0xB900  }
0x9e: {  	[tilespmem:s5], [sflag:$0x1] =	stream.indirect_vreg.gather [hbm4b:s4+s2], $0x80, v3, vm0, $0xb8;
	[tilespmem:$0x1E100] =	vst v63  }
0x9f: {  	v3 =	vld [tilespmem:s15+$0xFFFFFFA0];
	_ =	sdelay $0x4  }
0xa0: {  	v62 =	vshrl.u32 v3, $0x3  }
0xa1: {  	v4 =	vmul.u32 $0x30, v62  }
0xa2: {  	v3 =	vand.u32 $0x7, v3  }
0xa3: {  	v3 =	vor.u32 v3, v4  }
0xa4: {  	v4 =	vperm.xlane v3, v0;
	_ =	sdelay $0x1  }
0xa5: {  	v4 =	vadd.s32 v1, v4;
	_ =	sdelay $0x3  }
0xa6: {  	s5 =	simm.s32 $0xC100;
	v3 =	vperm.xlane v3, v2  }
0xa7: {  	[tilespmem:s5], [sflag:$0x1] =	stream.indirect_vreg.gather [hbm4b:s10+s2], $0x80, v4, vm0, $0xb8;
	[tilespmem:$0x1E100] =	vst v63  }
0xa8: {  	v3 =	vadd.s32 v1, v3;
	s5 =	simm.s32 $0xC900  }
0xa9: {  	[tilespmem:s5], [sflag:$0x1] =	stream.indirect_vreg.gather [hbm4b:s3+s2], $0x80, v4, vm0, $0xb8;
	[tilespmem:$0x1E100] =	vst v63  }
0xaa: {  	_ = 	snop  }
0xab: {  	[tilespmem:s6], [sflag:$0x1] =	stream.indirect_vreg.gather [hbm4b:s4+s2], $0x80, v4, vm0, $0xb8;
	[tilespmem:$0x1E100] =	vst v63  }
0xac: {  	_ = 	snop  }
0xad: {  	[tilespmem:s7], [sflag:$0x1] =	stream.indirect_vreg.gather [hbm4b:s10+s2], $0x80, v3, vm0, $0xb8;
	[tilespmem:$0x1E100] =	vst v63  }
0xae: {  	_ = 	snop  }
0xaf: {  	[tilespmem:s8], [sflag:$0x1] =	stream.indirect_vreg.gather [hbm4b:s3+s2], $0x80, v3, vm0, $0xb8;
	[tilespmem:$0x1E100] =	vst v63  }
0xb0: {  	_ = 	snop  }
0xb1: {  	[tilespmem:s11], [sflag:$0x1] =	stream.indirect_vreg.gather [hbm4b:s4+s2], $0x80, v3, vm0, $0xb8;
	[tilespmem:$0x1E100] =	vst v63  }
0xb2: {  	v3 =	vld [tilespmem:s15+$0xFFFFFFB0];
	_ =	sdelay $0x4  }
0xb3: {  	v63 =	vshrl.u32 v3, $0x3  }
0xb4: {  	v4 =	vmul.u32 $0x30, v63  }
0xb5: {  	v3 =	vand.u32 $0x7, v3  }
0xb6: {  	v3 =	vor.u32 v3, v4  }
0xb7: {  	v4 =	vperm.xlane v3, v0;
	_ =	sdelay $0x1  }
0xb8: {  	v4 =	vadd.s32 v1, v4;
	_ =	sdelay $0x3  }
0xb9: {  	v3 =	vperm.xlane v3, v2  }
0xba: {  	[tilespmem:s12], [sflag:$0x1] =	stream.indirect_vreg.gather [hbm4b:s10+s2], $0x80, v4, vm0, $0xb8;
	[tilespmem:$0x1E100] =	vst v63  }
0xbb: {  	v3 =	vadd.s32 v1, v3  }
0xbc: {  	[tilespmem:s26], [sflag:$0x1] =	stream.indirect_vreg.gather [hbm4b:s3+s2], $0x80, v4, vm0, $0xb8;
	[tilespmem:$0x1E100] =	vst v63  }
0xbd: {  	_ = 	snop  }
0xbe: {  	[tilespmem:s28], [sflag:$0x1] =	stream.indirect_vreg.gather [hbm4b:s4+s2], $0x80, v4, vm0, $0xb8;
	[tilespmem:$0x1E100] =	vst v63  }
0xbf: {  	p0 =	sge.s32 s14, s1  }
0xc0: {  	[tilespmem:s29], [sflag:$0x1] =	stream.indirect_vreg.gather [hbm4b:s10+s2], $0x80, v3, vm0, $0xb8;
	[tilespmem:$0x1E100] =	vst v63  }
.Ltmp8:
0xc1: {  	_ = 	snop;
	(pc) =	sbr.rel @p0 .LBB2_9-.Ltmp8, $4  }
0xc2: {  	_ = 	snop  }
0xc3: {  	[tilespmem:s30], [sflag:$0x1] =	stream.indirect_vreg.gather [hbm4b:s3+s2], $0x80, v3, vm0, $0xb8;
	[tilespmem:$0x1E100] =	vst v63  }
0xc4: {  	_ = 	snop  }
0xc5: {  	[tilespmem:s31], [sflag:$0x1] =	stream.indirect_vreg.gather [hbm4b:s4+s2], $0x80, v3, vm0, $0xb8;
	[tilespmem:$0x1E100] =	vst v63  }
0xc6: {  	v3 =	vld [tilespmem:s15+$0x0];
	_ =	sdelay $0x4  }
0xc7: {  	v4 =	vshrl.u32 v3, $0x3  }
0xc8: {  	v4 =	vmul.u32 $0x30, v4  }
0xc9: {  	v3 =	vand.u32 $0x7, v3  }
0xca: {  	v3 =	vor.u32 v3, v4  }
0xcb: {  	v4 =	vperm.xlane v3, v0;
	_ =	sdelay $0x1  }
0xcc: {  	v4 =	vadd.s32 v1, v4;
	_ =	sdelay $0x3  }
0xcd: {  	s5 =	simm.s32 $0x12100;
	v3 =	vperm.xlane v3, v2  }
0xce: {  	[tilespmem:s5], [sflag:$0x2] =	stream.indirect_vreg.gather [hbm4b:s10+s2], $0x80, v4, vm0, $0xb8;
	[tilespmem:$0x1E100] =	vst v63  }
0xcf: {  	v3 =	vadd.s32 v1, v3;
	s5 =	simm.s32 $0x12900  }
0xd0: {  	[tilespmem:s5], [sflag:$0x2] =	stream.indirect_vreg.gather [hbm4b:s3+s2], $0x80, v4, vm0, $0xb8;
	[tilespmem:$0x1E100] =	vst v63  }
0xd1: {  	s5 =	simm.s32 $0x13100  }
0xd2: {  	[tilespmem:s5], [sflag:$0x2] =	stream.indirect_vreg.gather [hbm4b:s4+s2], $0x80, v4, vm0, $0xb8;
	[tilespmem:$0x1E100] =	vst v63  }
0xd3: {  	s5 =	simm.s32 $0x13900  }
0xd4: {  	[tilespmem:s5], [sflag:$0x2] =	stream.indirect_vreg.gather [hbm4b:s10+s2], $0x80, v3, vm0, $0xb8;
	[tilespmem:$0x1E100] =	vst v63  }
0xd5: {  	s5 =	simm.s32 $0x14100  }
0xd6: {  	[tilespmem:s5], [sflag:$0x2] =	stream.indirect_vreg.gather [hbm4b:s3+s2], $0x80, v3, vm0, $0xb8;
	[tilespmem:$0x1E100] =	vst v63  }
0xd7: {  	s5 =	simm.s32 $0x14900  }
0xd8: {  	[tilespmem:s5], [sflag:$0x2] =	stream.indirect_vreg.gather [hbm4b:s4+s2], $0x80, v3, vm0, $0xb8;
	[tilespmem:$0x1E100] =	vst v63  }
0xd9: {  	v3 =	vld [tilespmem:s15+$0x10];
	_ =	sdelay $0x4  }
0xda: {  	v61 =	vshrl.u32 v3, $0x3  }
0xdb: {  	v4 =	vmul.u32 $0x30, v61  }
0xdc: {  	v3 =	vand.u32 $0x7, v3  }
0xdd: {  	v3 =	vor.u32 v3, v4  }
0xde: {  	v4 =	vperm.xlane v3, v0;
	_ =	sdelay $0x1  }
0xdf: {  	v4 =	vadd.s32 v1, v4;
	_ =	sdelay $0x3  }
0xe0: {  	s5 =	simm.s32 $0x15100;
	v3 =	vperm.xlane v3, v2  }
0xe1: {  	[tilespmem:s5], [sflag:$0x2] =	stream.indirect_vreg.gather [hbm4b:s10+s2], $0x80, v4, vm0, $0xb8;
	[tilespmem:$0x1E100] =	vst v63  }
0xe2: {  	v3 =	vadd.s32 v1, v3;
	s5 =	simm.s32 $0x15900  }
0xe3: {  	[tilespmem:s5], [sflag:$0x2] =	stream.indirect_vreg.gather [hbm4b:s3+s2], $0x80, v4, vm0, $0xb8;
	[tilespmem:$0x1E100] =	vst v63  }
0xe4: {  	s5 =	simm.s32 $0x16100  }
0xe5: {  	[tilespmem:s5], [sflag:$0x2] =	stream.indirect_vreg.gather [hbm4b:s4+s2], $0x80, v4, vm0, $0xb8;
	[tilespmem:$0x1E100] =	vst v63  }
0xe6: {  	s5 =	simm.s32 $0x16900  }
0xe7: {  	[tilespmem:s5], [sflag:$0x2] =	stream.indirect_vreg.gather [hbm4b:s10+s2], $0x80, v3, vm0, $0xb8;
	[tilespmem:$0x1E100] =	vst v63  }
0xe8: {  	s5 =	simm.s32 $0x17100  }
0xe9: {  	[tilespmem:s5], [sflag:$0x2] =	stream.indirect_vreg.gather [hbm4b:s3+s2], $0x80, v3, vm0, $0xb8;
	[tilespmem:$0x1E100] =	vst v63  }
0xea: {  	s5 =	simm.s32 $0x17900  }
0xeb: {  	[tilespmem:s5], [sflag:$0x2] =	stream.indirect_vreg.gather [hbm4b:s4+s2], $0x80, v3, vm0, $0xb8;
	[tilespmem:$0x1E100] =	vst v63  }
0xec: {  	v3 =	vld [tilespmem:s15+$0x20];
	_ =	sdelay $0x4  }
0xed: {  	v62 =	vshrl.u32 v3, $0x3  }
0xee: {  	v4 =	vmul.u32 $0x30, v62  }
0xef: {  	v3 =	vand.u32 $0x7, v3  }
0xf0: {  	v3 =	vor.u32 v3, v4  }
0xf1: {  	v4 =	vperm.xlane v3, v0;
	_ =	sdelay $0x1  }
0xf2: {  	v4 =	vadd.s32 v1, v4;
	_ =	sdelay $0x3  }
0xf3: {  	s5 =	simm.s32 $0x18100;
	v3 =	vperm.xlane v3, v2  }
0xf4: {  	[tilespmem:s5], [sflag:$0x2] =	stream.indirect_vreg.gather [hbm4b:s10+s2], $0x80, v4, vm0, $0xb8;
	[tilespmem:$0x1E100] =	vst v63  }
0xf5: {  	v3 =	vadd.s32 v1, v3;
	s5 =	simm.s32 $0x18900  }
0xf6: {  	[tilespmem:s5], [sflag:$0x2] =	stream.indirect_vreg.gather [hbm4b:s3+s2], $0x80, v4, vm0, $0xb8;
	[tilespmem:$0x1E100] =	vst v63  }
0xf7: {  	s5 =	simm.s32 $0x19100  }
0xf8: {  	[tilespmem:s5], [sflag:$0x2] =	stream.indirect_vreg.gather [hbm4b:s4+s2], $0x80, v4, vm0, $0xb8;
	[tilespmem:$0x1E100] =	vst v63  }
0xf9: {  	s5 =	simm.s32 $0x19900  }
0xfa: {  	[tilespmem:s5], [sflag:$0x2] =	stream.indirect_vreg.gather [hbm4b:s10+s2], $0x80, v3, vm0, $0xb8;
	[tilespmem:$0x1E100] =	vst v63  }
0xfb: {  	s5 =	simm.s32 $0x1A100  }
0xfc: {  	[tilespmem:s5], [sflag:$0x2] =	stream.indirect_vreg.gather [hbm4b:s3+s2], $0x80, v3, vm0, $0xb8;
	[tilespmem:$0x1E100] =	vst v63  }
0xfd: {  	s5 =	simm.s32 $0x1A900  }
0xfe: {  	[tilespmem:s5], [sflag:$0x2] =	stream.indirect_vreg.gather [hbm4b:s4+s2], $0x80, v3, vm0, $0xb8;
	[tilespmem:$0x1E100] =	vst v63  }
0xff: {  	v3 =	vld [tilespmem:s15+$0x30];
	_ =	sdelay $0x4  }
0x100: {  	v63 =	vshrl.u32 v3, $0x3  }
0x101: {  	v4 =	vmul.u32 $0x30, v63  }
0x102: {  	v3 =	vand.u32 $0x7, v3  }
0x103: {  	v3 =	vor.u32 v3, v4  }
0x104: {  	v4 =	vperm.xlane v3, v0;
	_ =	sdelay $0x1  }
0x105: {  	v4 =	vadd.s32 v1, v4;
	_ =	sdelay $0x3  }
0x106: {  	s5 =	simm.s32 $0x1B100;
	v3 =	vperm.xlane v3, v2  }
0x107: {  	[tilespmem:s5], [sflag:$0x2] =	stream.indirect_vreg.gather [hbm4b:s10+s2], $0x80, v4, vm0, $0xb8;
	[tilespmem:$0x1E100] =	vst v63  }
0x108: {  	v3 =	vadd.s32 v1, v3;
	s5 =	simm.s32 $0x1B900  }
0x109: {  	[tilespmem:s5], [sflag:$0x2] =	stream.indirect_vreg.gather [hbm4b:s3+s2], $0x80, v4, vm0, $0xb8;
	[tilespmem:$0x1E100] =	vst v63  }
0x10a: {  	s5 =	simm.s32 $0x1C100  }
0x10b: {  	[tilespmem:s5], [sflag:$0x2] =	stream.indirect_vreg.gather [hbm4b:s4+s2], $0x80, v4, vm0, $0xb8;
	[tilespmem:$0x1E100] =	vst v63  }
0x10c: {  	s5 =	simm.s32 $0x1C900  }
0x10d: {  	[tilespmem:s5], [sflag:$0x2] =	stream.indirect_vreg.gather [hbm4b:s10+s2], $0x80, v3, vm0, $0xb8;
	[tilespmem:$0x1E100] =	vst v63  }
0x10e: {  	s5 =	simm.s32 $0x1D100  }
0x10f: {  	[tilespmem:s5], [sflag:$0x2] =	stream.indirect_vreg.gather [hbm4b:s3+s2], $0x80, v3, vm0, $0xb8;
	[tilespmem:$0x1E100] =	vst v63  }
0x110: {  	s5 =	simm.s32 $0x1D900  }
0x111: {  	[tilespmem:s5], [sflag:$0x2] =	stream.indirect_vreg.gather [hbm4b:s4+s2], $0x80, v3, vm0, $0xb8;
	[tilespmem:$0x1E100] =	vst v63  }
.LBB2_9:
0x112: {  	_ =	swait.ge [sflag:s25], $0xC000  }
0x113: {  	[sflag:s25] =	ssyncset.done $0x0  }
0x114: {  	[sflag:s25] =	ssyncadd.s32 $0xFFFF4000  }
0x115: {  	v3 =	vld [tilespmem:s16+$0xFFFFFF80];
	_ =	sdelay $0x4  }
0x116: {  	v4 =	vshrl.u32 v3, $0x3  }
0x117: {  	v4 =	vmul.u32 $0x30, v4  }
0x118: {  	v3 =	vand.u32 $0x7, v3  }
0x119: {  	v3 =	vor.u32 v3, v4  }
0x11a: {  	v4 =	vperm.xlane v3, v0;
	_ =	sdelay $0x1  }
0x11b: {  	v4 =	vadd.s32 v1, v4;
	_ =	sdelay $0x3  }
0x11c: {  	s3 =	simm.s32 $0x6100;
	v3 =	vperm.xlane v3, v2  }
0x11d: {  	[hbm4b:s9+s2] =	stream.indirect_vreg.scatter [tilespmem:s3], [sflag:$0x3], $0x80, v4, vm0, $0xb8;
	[tilespmem:$0x1E100] =	vst v63  }
0x11e: {  	s5 =	simm.s32 $0x6900;
	v3 =	vadd.s32 v1, v3  }
0x11f: {  	[hbm4b:s18+s2] =	stream.indirect_vreg.scatter [tilespmem:s5], [sflag:$0x3], $0x80, v4, vm0, $0xb8;
	[tilespmem:$0x1E100] =	vst v63  }
0x120: {  	s4 =	simm.s32 $0x7100  }
0x121: {  	[hbm4b:s20+s2] =	stream.indirect_vreg.scatter [tilespmem:s4], [sflag:$0x3], $0x80, v4, vm0, $0xb8;
	[tilespmem:$0x1E100] =	vst v63  }
0x122: {  	s5 =	simm.s32 $0x7900  }
0x123: {  	[hbm4b:s9+s2] =	stream.indirect_vreg.scatter [tilespmem:s5], [sflag:$0x3], $0x80, v3, vm0, $0xb8;
	[tilespmem:$0x1E100] =	vst v63  }
0x124: {  	s4 =	simm.s32 $0x8100  }
0x125: {  	[hbm4b:s18+s2] =	stream.indirect_vreg.scatter [tilespmem:s4], [sflag:$0x3], $0x80, v3, vm0, $0xb8;
	[tilespmem:$0x1E100] =	vst v63  }
0x126: {  	s5 =	simm.s32 $0x8900  }
0x127: {  	[hbm4b:s20+s2] =	stream.indirect_vreg.scatter [tilespmem:s5], [sflag:$0x3], $0x80, v3, vm0, $0xb8;
	[tilespmem:$0x1E100] =	vst v63  }
0x128: {  	v3 =	vld [tilespmem:s16+$0xFFFFFF90];
	_ =	sdelay $0x4  }
0x129: {  	v61 =	vshrl.u32 v3, $0x3  }
0x12a: {  	v4 =	vmul.u32 $0x30, v61  }
0x12b: {  	v3 =	vand.u32 $0x7, v3  }
0x12c: {  	v3 =	vor.u32 v3, v4  }
0x12d: {  	v4 =	vperm.xlane v3, v0;
	_ =	sdelay $0x1  }
0x12e: {  	v4 =	vadd.s32 v1, v4;
	_ =	sdelay $0x3  }
0x12f: {  	s4 =	simm.s32 $0x9100;
	v3 =	vperm.xlane v3, v2  }
0x130: {  	[hbm4b:s9+s2] =	stream.indirect_vreg.scatter [tilespmem:s4], [sflag:$0x3], $0x80, v4, vm0, $0xb8;
	[tilespmem:$0x1E100] =	vst v63  }
0x131: {  	s5 =	simm.s32 $0x9900;
	v3 =	vadd.s32 v1, v3  }
0x132: {  	[hbm4b:s18+s2] =	stream.indirect_vreg.scatter [tilespmem:s5], [sflag:$0x3], $0x80, v4, vm0, $0xb8;
	[tilespmem:$0x1E100] =	vst v63  }
0x133: {  	s4 =	simm.s32 $0xA100  }
0x134: {  	[hbm4b:s20+s2] =	stream.indirect_vreg.scatter [tilespmem:s4], [sflag:$0x3], $0x80, v4, vm0, $0xb8;
	[tilespmem:$0x1E100] =	vst v63  }
0x135: {  	s5 =	simm.s32 $0xA900  }
0x136: {  	[hbm4b:s9+s2] =	stream.indirect_vreg.scatter [tilespmem:s5], [sflag:$0x3], $0x80, v3, vm0, $0xb8;
	[tilespmem:$0x1E100] =	vst v63  }
0x137: {  	s4 =	simm.s32 $0xB100  }
0x138: {  	[hbm4b:s18+s2] =	stream.indirect_vreg.scatter [tilespmem:s4], [sflag:$0x3], $0x80, v3, vm0, $0xb8;
	[tilespmem:$0x1E100] =	vst v63  }
0x139: {  	s5 =	simm.s32 $0xB900  }
0x13a: {  	[hbm4b:s20+s2] =	stream.indirect_vreg.scatter [tilespmem:s5], [sflag:$0x3], $0x80, v3, vm0, $0xb8;
	[tilespmem:$0x1E100] =	vst v63  }
0x13b: {  	v3 =	vld [tilespmem:s16+$0xFFFFFFA0];
	_ =	sdelay $0x4  }
0x13c: {  	v62 =	vshrl.u32 v3, $0x3  }
0x13d: {  	v4 =	vmul.u32 $0x30, v62  }
0x13e: {  	v3 =	vand.u32 $0x7, v3  }
0x13f: {  	v3 =	vor.u32 v3, v4  }
0x140: {  	v4 =	vperm.xlane v3, v0;
	_ =	sdelay $0x1  }
0x141: {  	v4 =	vadd.s32 v1, v4;
	_ =	sdelay $0x3  }
0x142: {  	s4 =	simm.s32 $0xC100;
	v3 =	vperm.xlane v3, v2  }
0x143: {  	[hbm4b:s9+s2] =	stream.indirect_vreg.scatter [tilespmem:s4], [sflag:$0x3], $0x80, v4, vm0, $0xb8;
	[tilespmem:$0x1E100] =	vst v63  }
0x144: {  	s5 =	simm.s32 $0xC900;
	v3 =	vadd.s32 v1, v3  }
0x145: {  	[hbm4b:s18+s2] =	stream.indirect_vreg.scatter [tilespmem:s5], [sflag:$0x3], $0x80, v4, vm0, $0xb8;
	[tilespmem:$0x1E100] =	vst v63  }
0x146: {  	_ = 	snop  }
0x147: {  	[hbm4b:s20+s2] =	stream.indirect_vreg.scatter [tilespmem:s6], [sflag:$0x3], $0x80, v4, vm0, $0xb8;
	[tilespmem:$0x1E100] =	vst v63  }
0x148: {  	_ = 	snop  }
0x149: {  	[hbm4b:s9+s2] =	stream.indirect_vreg.scatter [tilespmem:s7], [sflag:$0x3], $0x80, v3, vm0, $0xb8;
	[tilespmem:$0x1E100] =	vst v63  }
0x14a: {  	_ = 	snop  }
0x14b: {  	[hbm4b:s18+s2] =	stream.indirect_vreg.scatter [tilespmem:s8], [sflag:$0x3], $0x80, v3, vm0, $0xb8;
	[tilespmem:$0x1E100] =	vst v63  }
0x14c: {  	_ = 	snop  }
0x14d: {  	[hbm4b:s20+s2] =	stream.indirect_vreg.scatter [tilespmem:s11], [sflag:$0x3], $0x80, v3, vm0, $0xb8;
	[tilespmem:$0x1E100] =	vst v63  }
0x14e: {  	v3 =	vld [tilespmem:s16+$0xFFFFFFB0];
	_ =	sdelay $0x4  }
0x14f: {  	v63 =	vshrl.u32 v3, $0x3  }
0x150: {  	v4 =	vmul.u32 $0x30, v63  }
0x151: {  	v3 =	vand.u32 $0x7, v3  }
0x152: {  	v3 =	vor.u32 v3, v4  }
0x153: {  	v4 =	vperm.xlane v3, v0;
	_ =	sdelay $0x1  }
0x154: {  	v4 =	vadd.s32 v1, v4;
	_ =	sdelay $0x3  }
0x155: {  	v3 =	vperm.xlane v3, v2  }
0x156: {  	[hbm4b:s9+s2] =	stream.indirect_vreg.scatter [tilespmem:s12], [sflag:$0x3], $0x80, v4, vm0, $0xb8;
	[tilespmem:$0x1E100] =	vst v63  }
0x157: {  	v3 =	vadd.s32 v1, v3  }
0x158: {  	[hbm4b:s18+s2] =	stream.indirect_vreg.scatter [tilespmem:s26], [sflag:$0x3], $0x80, v4, vm0, $0xb8;
	[tilespmem:$0x1E100] =	vst v63  }
0x159: {  	_ = 	snop  }
0x15a: {  	[hbm4b:s20+s2] =	stream.indirect_vreg.scatter [tilespmem:s28], [sflag:$0x3], $0x80, v4, vm0, $0xb8;
	[tilespmem:$0x1E100] =	vst v63  }
0x15b: {  	_ = 	snop  }
0x15c: {  	[hbm4b:s9+s2] =	stream.indirect_vreg.scatter [tilespmem:s29], [sflag:$0x3], $0x80, v3, vm0, $0xb8;
	[tilespmem:$0x1E100] =	vst v63  }
.Ltmp9:
0x15d: {  	_ = 	snop;
	(pc) =	sbr.rel @p0 .LBB2_11-.Ltmp9, $4  }
0x15e: {  	_ = 	snop  }
0x15f: {  	[hbm4b:s18+s2] =	stream.indirect_vreg.scatter [tilespmem:s30], [sflag:$0x3], $0x80, v3, vm0, $0xb8;
	[tilespmem:$0x1E100] =	vst v63  }
0x160: {  	s3 =	simm.s32 $0x3  }
0x161: {  	[hbm4b:s20+s2] =	stream.indirect_vreg.scatter [tilespmem:s31], [sflag:$0x3], $0x80, v3, vm0, $0xb8;
	[tilespmem:$0x1E100] =	vst v63  }
0x162: {  	s3 =	simm.s32 $0x2  }
0x163: {  	_ =	swait.ge [sflag:s3], $0xC000  }
0x164: {  	[sflag:s3] =	ssyncset.done $0x0  }
0x165: {  	[sflag:s3] =	ssyncadd.s32 $0xFFFF4000  }
0x166: {  	v3 =	vld [tilespmem:s16+$0x0];
	_ =	sdelay $0x4  }
0x167: {  	v4 =	vshrl.u32 v3, $0x3  }
0x168: {  	v4 =	vmul.u32 $0x30, v4  }
0x169: {  	v3 =	vand.u32 $0x7, v3  }
0x16a: {  	v3 =	vor.u32 v3, v4  }
0x16b: {  	v4 =	vperm.xlane v3, v0;
	_ =	sdelay $0x1  }
0x16c: {  	v4 =	vadd.s32 v1, v4;
	_ =	sdelay $0x3  }
0x16d: {  	s5 =	simm.s32 $0x12100;
	v3 =	vperm.xlane v3, v2  }
0x16e: {  	[hbm4b:s9+s2] =	stream.indirect_vreg.scatter [tilespmem:s5], [sflag:$0x4], $0x80, v4, vm0, $0xb8;
	[tilespmem:$0x1E100] =	vst v63  }
0x16f: {  	s4 =	simm.s32 $0x12900;
	v3 =	vadd.s32 v1, v3  }
0x170: {  	[hbm4b:s18+s2] =	stream.indirect_vreg.scatter [tilespmem:s4], [sflag:$0x4], $0x80, v4, vm0, $0xb8;
	[tilespmem:$0x1E100] =	vst v63  }
0x171: {  	s5 =	simm.s32 $0x13100  }
0x172: {  	[hbm4b:s20+s2] =	stream.indirect_vreg.scatter [tilespmem:s5], [sflag:$0x4], $0x80, v4, vm0, $0xb8;
	[tilespmem:$0x1E100] =	vst v63  }
0x173: {  	s4 =	simm.s32 $0x13900  }
0x174: {  	[hbm4b:s9+s2] =	stream.indirect_vreg.scatter [tilespmem:s4], [sflag:$0x4], $0x80, v3, vm0, $0xb8;
	[tilespmem:$0x1E100] =	vst v63  }
0x175: {  	s5 =	simm.s32 $0x14100  }
0x176: {  	[hbm4b:s18+s2] =	stream.indirect_vreg.scatter [tilespmem:s5], [sflag:$0x4], $0x80, v3, vm0, $0xb8;
	[tilespmem:$0x1E100] =	vst v63  }
0x177: {  	s4 =	simm.s32 $0x14900  }
0x178: {  	[hbm4b:s20+s2] =	stream.indirect_vreg.scatter [tilespmem:s4], [sflag:$0x4], $0x80, v3, vm0, $0xb8;
	[tilespmem:$0x1E100] =	vst v63  }
0x179: {  	v3 =	vld [tilespmem:s16+$0x10];
	_ =	sdelay $0x4  }
0x17a: {  	v61 =	vshrl.u32 v3, $0x3  }
0x17b: {  	v4 =	vmul.u32 $0x30, v61  }
0x17c: {  	v3 =	vand.u32 $0x7, v3  }
0x17d: {  	v3 =	vor.u32 v3, v4  }
0x17e: {  	v4 =	vperm.xlane v3, v0;
	_ =	sdelay $0x1  }
0x17f: {  	v4 =	vadd.s32 v1, v4;
	_ =	sdelay $0x3  }
0x180: {  	s5 =	simm.s32 $0x15100;
	v3 =	vperm.xlane v3, v2  }
0x181: {  	[hbm4b:s9+s2] =	stream.indirect_vreg.scatter [tilespmem:s5], [sflag:$0x4], $0x80, v4, vm0, $0xb8;
	[tilespmem:$0x1E100] =	vst v63  }
0x182: {  	s4 =	simm.s32 $0x15900;
	v3 =	vadd.s32 v1, v3  }
0x183: {  	[hbm4b:s18+s2] =	stream.indirect_vreg.scatter [tilespmem:s4], [sflag:$0x4], $0x80, v4, vm0, $0xb8;
	[tilespmem:$0x1E100] =	vst v63  }
0x184: {  	s5 =	simm.s32 $0x16100  }
0x185: {  	[hbm4b:s20+s2] =	stream.indirect_vreg.scatter [tilespmem:s5], [sflag:$0x4], $0x80, v4, vm0, $0xb8;
	[tilespmem:$0x1E100] =	vst v63  }
0x186: {  	s4 =	simm.s32 $0x16900  }
0x187: {  	[hbm4b:s9+s2] =	stream.indirect_vreg.scatter [tilespmem:s4], [sflag:$0x4], $0x80, v3, vm0, $0xb8;
	[tilespmem:$0x1E100] =	vst v63  }
0x188: {  	s5 =	simm.s32 $0x17100  }
0x189: {  	[hbm4b:s18+s2] =	stream.indirect_vreg.scatter [tilespmem:s5], [sflag:$0x4], $0x80, v3, vm0, $0xb8;
	[tilespmem:$0x1E100] =	vst v63  }
0x18a: {  	s4 =	simm.s32 $0x17900  }
0x18b: {  	[hbm4b:s20+s2] =	stream.indirect_vreg.scatter [tilespmem:s4], [sflag:$0x4], $0x80, v3, vm0, $0xb8;
	[tilespmem:$0x1E100] =	vst v63  }
0x18c: {  	v3 =	vld [tilespmem:s16+$0x20];
	_ =	sdelay $0x4  }
0x18d: {  	v62 =	vshrl.u32 v3, $0x3  }
0x18e: {  	v4 =	vmul.u32 $0x30, v62  }
0x18f: {  	v3 =	vand.u32 $0x7, v3  }
0x190: {  	v3 =	vor.u32 v3, v4  }
0x191: {  	v4 =	vperm.xlane v3, v0;
	_ =	sdelay $0x1  }
0x192: {  	v4 =	vadd.s32 v1, v4;
	_ =	sdelay $0x3  }
0x193: {  	s5 =	simm.s32 $0x18100;
	v3 =	vperm.xlane v3, v2  }
0x194: {  	[hbm4b:s9+s2] =	stream.indirect_vreg.scatter [tilespmem:s5], [sflag:$0x4], $0x80, v4, vm0, $0xb8;
	[tilespmem:$0x1E100] =	vst v63  }
0x195: {  	s4 =	simm.s32 $0x18900;
	v3 =	vadd.s32 v1, v3  }
0x196: {  	[hbm4b:s18+s2] =	stream.indirect_vreg.scatter [tilespmem:s4], [sflag:$0x4], $0x80, v4, vm0, $0xb8;
	[tilespmem:$0x1E100] =	vst v63  }
0x197: {  	s5 =	simm.s32 $0x19100  }
0x198: {  	[hbm4b:s20+s2] =	stream.indirect_vreg.scatter [tilespmem:s5], [sflag:$0x4], $0x80, v4, vm0, $0xb8;
	[tilespmem:$0x1E100] =	vst v63  }
0x199: {  	s4 =	simm.s32 $0x19900  }
0x19a: {  	[hbm4b:s9+s2] =	stream.indirect_vreg.scatter [tilespmem:s4], [sflag:$0x4], $0x80, v3, vm0, $0xb8;
	[tilespmem:$0x1E100] =	vst v63  }
0x19b: {  	s5 =	simm.s32 $0x1A100  }
0x19c: {  	[hbm4b:s18+s2] =	stream.indirect_vreg.scatter [tilespmem:s5], [sflag:$0x4], $0x80, v3, vm0, $0xb8;
	[tilespmem:$0x1E100] =	vst v63  }
0x19d: {  	s4 =	simm.s32 $0x1A900  }
0x19e: {  	[hbm4b:s20+s2] =	stream.indirect_vreg.scatter [tilespmem:s4], [sflag:$0x4], $0x80, v3, vm0, $0xb8;
	[tilespmem:$0x1E100] =	vst v63  }
0x19f: {  	v3 =	vld [tilespmem:s16+$0x30];
	_ =	sdelay $0x4  }
0x1a0: {  	v63 =	vshrl.u32 v3, $0x3  }
0x1a1: {  	v4 =	vmul.u32 $0x30, v63  }
0x1a2: {  	v3 =	vand.u32 $0x7, v3  }
0x1a3: {  	v3 =	vor.u32 v3, v4  }
0x1a4: {  	v4 =	vperm.xlane v3, v0;
	_ =	sdelay $0x1  }
0x1a5: {  	v4 =	vadd.s32 v1, v4;
	_ =	sdelay $0x3  }
0x1a6: {  	s5 =	simm.s32 $0x1B100;
	v3 =	vperm.xlane v3, v2  }
0x1a7: {  	[hbm4b:s9+s2] =	stream.indirect_vreg.scatter [tilespmem:s5], [sflag:$0x4], $0x80, v4, vm0, $0xb8;
	[tilespmem:$0x1E100] =	vst v63  }
0x1a8: {  	s4 =	simm.s32 $0x1B900;
	v3 =	vadd.s32 v1, v3  }
0x1a9: {  	[hbm4b:s18+s2] =	stream.indirect_vreg.scatter [tilespmem:s4], [sflag:$0x4], $0x80, v4, vm0, $0xb8;
	[tilespmem:$0x1E100] =	vst v63  }
0x1aa: {  	s5 =	simm.s32 $0x1C100  }
0x1ab: {  	[hbm4b:s20+s2] =	stream.indirect_vreg.scatter [tilespmem:s5], [sflag:$0x4], $0x80, v4, vm0, $0xb8;
	[tilespmem:$0x1E100] =	vst v63  }
0x1ac: {  	s4 =	simm.s32 $0x1C900  }
0x1ad: {  	[hbm4b:s9+s2] =	stream.indirect_vreg.scatter [tilespmem:s4], [sflag:$0x4], $0x80, v3, vm0, $0xb8;
	[tilespmem:$0x1E100] =	vst v63  }
0x1ae: {  	s5 =	simm.s32 $0x1D100  }
0x1af: {  	[hbm4b:s18+s2] =	stream.indirect_vreg.scatter [tilespmem:s5], [sflag:$0x4], $0x80, v3, vm0, $0xb8;
	[tilespmem:$0x1E100] =	vst v63  }
.Ltmp10:
0x1b0: {  	s4 =	simm.s32 $0x1D900;
	s5 =	simm.s32 $0x3;
	(pc) =	sbr.rel .LBB2_11-.Ltmp10, $4  }
0x1b1: {  	[hbm4b:s20+s2] =	stream.indirect_vreg.scatter [tilespmem:s4], [sflag:$0x4], $0x80, v3, vm0, $0xb8;
	[tilespmem:$0x1E100] =	vst v63  }
0x1b2: {  	_ =	swait.ge [sflag:s5], $0xC000  }
0x1b3: {  	[sflag:s5] =	ssyncset.done $0x0  }
0x1b4: {  	s3 =	simm.s32 $0x4;
	[sflag:s5] =	ssyncadd.s32 $0xFFFF4000  }
.LBB2_12:
0x1b5: {  	s1 =	rddreg [dreg:$0xc]  }
0x1b6: {  	p0 =	sgt.s32 s1, $0x0  }
.Ltmp11:
0x1b7: {  	_ = 	snop;
	(pc) =	sbr.rel @!p0 .LBB2_16-.Ltmp11, $2  }
0x1b8: {  	_ =	sdelay $0x2  }
0x1b9: {  	s3 =	rddreg [dreg:$0xb]  }
0x1ba: {  	p0 =	sne.s32 s1, $0x1  }
.Ltmp12:
0x1bb: {  	_ = 	snop;
	(pc) =	sbr.rel @!p0 .LBB2_15-.Ltmp12, $3  }
0x1bc: {  	_ =	sdelay $0x1  }
0x1bd: {  	_ =	swait.ge [sflag:s0], $0x3000  }
0x1be: {  	s1 =	sadd.s32 $0xFFFFFFFF, s1;
	[sflag:s0] =	ssyncset.done $0x0  }
.LBB2_14:
0x1bf: {  	p0 =	sne.s32 s1, $0x1;
	s1 =	sadd.s32 $0xFFFFFFFF, s1;
	[sflag:s0] =	ssyncadd.s32 $0xFFFFD000  }
.Ltmp13:
0x1c0: {  	(pc) =	sbr.rel @p0 .LBB2_14-.Ltmp13, $3  }
0x1c1: {  	_ =	sdelay $0x1  }
0x1c2: {  	_ =	swait.ge [sflag:s0], $0x3000  }
0x1c3: {  	[sflag:s0] =	ssyncset.done $0x0  }
.Ltmp14:
0x1c4: {  	_ = 	snop;
	(pc) =	sbr.rel .LBB2_15-.Ltmp14, $1  }
0x1c5: {  	_ =	sdelay $0x3  }
.LBB2_17:
0x1c6: {  	_ =	sfence.sel $0x180000  }
0x1c7: {  	[bflag:$0x0] =	sbarrier.arrive $0xFFFF  }
0x1c8: {  	_ =	strace $0x90000047  }
0x1c9: {  	s0 =	stileid.u32;
	[bflag:$0x2] =	sbarrier.arrive $0xFFFF  }
0x1ca: {  	p0 =	sne.s32 s0, $0x0;
	s0 =	rddreg [dreg:$0x3]  }
0x1cb: {  	s0 =	sadd.s32 @!p0 $0x100000, s0  }
0x1cc: {  	[sflag:s0] =	ssyncadd.tile.s32 @!p0 $0x1;
	_ =	shalt  }
.Lfunc_end2:
_tile_overlayer_lowered:
.L_overlay_start_2:
0x1cd: {  	(tag) =	ssettag $0x2  }
0x1ce: {  	s0 =	rddreg [dreg:$0x0];
	s2 =	stileid.u32  }
0x1cf: {  	s1 =	rddreg [dreg:$0x1];
	p0 =	sne.s32 s2, $0x0  }
0x1d0: {  	s3 =	rddreg [dreg:$0x2];
	[bflag:$0x3] =	sbarrier.arrive $0xFFFF;
	s2 =	simm.s32 @!p0 $0x1C06  }
0x1d1: {  	[timem:s3], [sflag:s2] =	dma.local @!p0 [hbm:s0], s1  }
0x1d2: {  	s0 =	simm.s32 @!p0 $0x6  }
0x1d3: {  	_ =	swait.ge @!p0 [sflag:s0], s1  }
0x1d4: {  	s1 =	ssub.s32 @!p0 $0x0, s1;
	[sflag:s0] =	ssyncset.done @!p0 $0x0  }
0x1d5: {  	[sflag:s0] =	ssyncadd.s32 @!p0 s1  }
0x1d6: {  	[bflag:$0x3] =	sbarrier.arrive $0xFFFF  }
0x1d7: {  	_ =	shalt  }

</sc_bundles>
